<compile_context>
chip_gen: v7x
topology: tpu7x:2x2x1
jax: 0.10.2.dev20260603
libtpu: 0.0.44.dev20260713+nightly
codegen_flags: <defaults>
</compile_context>

<pallas_src>
import functools

import jax
import jax.numpy as jnp
from jax import lax
from jax.experimental import pallas as pl
from jax.experimental.pallas import tpu as pltpu
from jax.experimental.pallas import tpu_sc as plsc

SENT = 64
ANN = 256
FC7 = 2048
JEMB = 512
SB = 8
NLANE = 16
NCHUNK = ANN // NLANE

HI = jax.lax.Precision.HIGHEST


_GDN = lax.GatherDimensionNumbers(offset_dims=(), collapsed_slice_dims=(0,),
                                  start_index_map=(0,))


def _lane_allreduce(v, op):
    iota = lax.iota(jnp.int32, NLANE)
    for b in range(4):
        idx = jnp.bitwise_xor(iota, jnp.int32(1 << b)).reshape(NLANE, 1)
        v = op(v, lax.gather(v, idx, _GDN, (1,),
                             mode=lax.GatherScatterMode.PROMISE_IN_BOUNDS))
    return v


def _sc_kernel(attn_hbm, dist_t_hbm, dists_hbm, maxid_hbm,
               attn_v, row16_v, row_v, idx_v, idst_v, sem):
    cid = lax.axis_index("c")
    sid = lax.axis_index("s")
    w = sid * 2 + cid
    iota = lax.iota(jnp.int32, NLANE)
    for t in range(2):
        s = w * 2 + t
        pltpu.sync_copy(attn_hbm.at[pl.ds(s, 1)], attn_v)
        m = jnp.full((NLANE,), -jnp.inf, jnp.float32)
        for k in range(NCHUNK):
            m = jnp.maximum(m, attn_v[0, pl.ds(k * NLANE, NLANE)])
        msplat = _lane_allreduce(m, jnp.maximum)
        idxv = jnp.full((NLANE,), ANN, jnp.int32)
        for k in range(NCHUNK):
            ch = attn_v[0, pl.ds(k * NLANE, NLANE)]
            idxv = jnp.minimum(
                idxv, jnp.where(ch == msplat, iota + (k * NLANE), ANN))
        amax = _lane_allreduce(idxv, jnp.minimum)
        idst_v[0, :] = amax
        pltpu.sync_copy(idst_v, maxid_hbm.at[pl.ds(s, 1)])
        idx_v[...] = amax
        pltpu.async_copy(dist_t_hbm.at[idx_v], row16_v, sem).wait()
        okv = jnp.where(msplat == 0.0, 0.0, 1.0)
        addv = (1.0 - okv) * 100.0
        for k in range(NCHUNK):
            sl = pl.ds(k * NLANE, NLANE)
            row_v[0, sl] = row16_v[0, sl] * okv + addv
        pltpu.sync_copy(row_v, dists_hbm.at[pl.ds(s, 1)])


def _tc_kernel(attn, cxt_feats, fc_w, w7, lw, b2, cw,
               fuse, base_s, cf_s, w2_s):
    pid = pl.program_id(0)

    @pl.when(pid == 0)
    def _prologue():
        a = attn[...]
        m = jnp.max(a, axis=1, keepdims=True)
        cols = lax.broadcasted_iota(jnp.int32, (SENT, ANN), 1)
        ids = jnp.min(jnp.where(a == m, cols, ANN), axis=1,
                      keepdims=True)
        onehot = (cols == ids).astype(jnp.float32)
        ok = jnp.where(m == 0.0, 0.0, 1.0)

        w2_s[...] = jnp.transpose(fc_w[:, FC7:FC7 + 5] * lw[...]) \
            .reshape(5, JEMB)

        g = lax.dot(onehot, cw[...], precision=HI)
        ss = g[:, :ANN] * g[:, :ANN]
        for c in range(1, 5):
            lc = g[:, c * ANN:(c + 1) * ANN]
            ss = ss + lc * lc
        invl = ok / jnp.maximum(jnp.sqrt(ss), 1e-12)
        cf_s[...] = g * jnp.concatenate([invl] * 5, axis=1)

        rf = lax.dot(onehot, cxt_feats[...], precision=HI)
        n = jnp.sqrt(jnp.sum(rf * rf, axis=1, keepdims=True))
        inv7 = ok / jnp.maximum(n, 1e-12)
        rfn = rf * inv7 * w7[...]
        base_s[...] = lax.dot_general(rfn, fc_w[:, :FC7],
                                      (((1,), (1,)), ((), ()))) + b2[...]

    sl = pl.ds(pid * SB, SB)
    cf = cf_s[sl, :]
    w2 = w2_s[...]
    out = jnp.broadcast_to(base_s[sl, :][:, None, :], (SB, ANN, JEMB))
    for c in range(5):
        out = out + cf[:, c * ANN:(c + 1) * ANN][:, :, None] \
            * w2[c][None, None, :]
    fuse[...] = out


@functools.partial(jax.jit, static_argnames=("interpret",))
def _run(cxt_feats, cxt_lfeats, obj_attn, dist, fc7_norm_w, lfeat_norm_w,
         fc_w, fc_b, interpret=False):
    cw = jnp.transpose(cxt_lfeats, (1, 2, 0)).reshape(ANN, 5 * ANN)
    dist_t = jnp.transpose(dist.reshape(ANN, ANN), (1, 0))
    b2 = fc_b.reshape(1, JEMB)

    sc = pl.kernel(
        _sc_kernel,
        out_type=[
            jax.ShapeDtypeStruct((SENT, ANN), jnp.float32),
            jax.ShapeDtypeStruct((SENT, NLANE), jnp.int32),
        ],
        mesh=plsc.VectorSubcoreMesh(core_axis_name="c",
                                    subcore_axis_name="s"),
        scratch_types=[
            pltpu.VMEM((1, ANN), jnp.float32),
            pltpu.VMEM((NLANE, ANN), jnp.float32),
            pltpu.VMEM((1, ANN), jnp.float32),
            pltpu.VMEM((NLANE,), jnp.int32),
            pltpu.VMEM((1, NLANE), jnp.int32),
            pltpu.SemaphoreType.DMA,
        ],
    )
    dists, maxid16 = sc(obj_attn, dist_t)

    fuse, = pl.pallas_call(
        _tc_kernel,
        grid=(SENT // SB,),
        in_specs=[
            pl.BlockSpec((SENT, ANN), lambda i: (0, 0)),
            pl.BlockSpec((ANN, FC7), lambda i: (0, 0)),
            pl.BlockSpec((JEMB, FC7 + 5), lambda i: (0, 0)),
            pl.BlockSpec((1, FC7), lambda i: (0, 0)),
            pl.BlockSpec((1, 5), lambda i: (0, 0)),
            pl.BlockSpec((1, JEMB), lambda i: (0, 0)),
            pl.BlockSpec((ANN, 5 * ANN), lambda i: (0, 0)),
        ],
        out_specs=[
            pl.BlockSpec((SB, ANN, JEMB), lambda i: (i, 0, 0)),
        ],
        out_shape=[
            jax.ShapeDtypeStruct((SENT, ANN, JEMB), jnp.float32),
        ],
        scratch_shapes=[
            pltpu.VMEM((SENT, JEMB), jnp.float32),
            pltpu.VMEM((SENT, 5 * ANN), jnp.float32),
            pltpu.VMEM((5, JEMB), jnp.float32),
        ],
        interpret=interpret,
    )(obj_attn, cxt_feats, fc_w, fc7_norm_w, lfeat_norm_w, b2, cw)

    return fuse, dists, maxid16[:, 0]


def kernel(cxt_feats, cxt_lfeats, obj_attn, wo_obj_idx, dist,
           fc7_norm_w, lfeat_norm_w, fc_w, fc_b):
    del wo_obj_idx
    return _run(cxt_feats, cxt_lfeats, obj_attn, dist, fc7_norm_w,
                lfeat_norm_w, fc_w, fc_b)

# --- scband reference (transcript-rebuilt; emitter-appended) ---
"""Pipeline reference for scband-relation-encoder-60773787238647 (READ-ONLY COPY).

The authoritative reference and input builder live on the scoring server;
editing this copy changes nothing except your own understanding.
"""

import jax, jax.numpy as jnp
import numpy as np

SENT = 64
ANN = 256
FC7 = 2048
JEMB = 512
INIT_NORM = 20.0


def setup_inputs(seed: int = 0) -> dict:
    key = jax.random.key(seed)
    ks = jax.random.split(key, 8)
    cxt_feats = jax.random.normal(ks[0], (ANN, FC7), dtype=jnp.float32)
    cxt_lfeats = jax.random.normal(ks[1], (ANN, ANN, 5), dtype=jnp.float32)
    obj_attn = jax.random.uniform(ks[2], (SENT, ANN), dtype=jnp.float32)
    wo_obj_idx = jax.random.randint(ks[3], (SENT,), 0, ANN)
    dist = jax.random.uniform(ks[4], (ANN, ANN, 1), dtype=jnp.float32)
    # learned parameters
    fc7_norm_w = jnp.ones((1, FC7), dtype=jnp.float32) * INIT_NORM
    lfeat_norm_w = jnp.ones((1, 5), dtype=jnp.float32) * INIT_NORM
    fc_w = jax.random.normal(ks[5], (JEMB, FC7 + 5), dtype=jnp.float32) * 0.02
    fc_b = jnp.zeros((JEMB,), dtype=jnp.float32)
    return {
        'cxt_feats': cxt_feats,
        'cxt_lfeats': cxt_lfeats,
        'obj_attn': obj_attn,
        'wo_obj_idx': wo_obj_idx,
        'dist': dist,
        'fc7_norm_w': fc7_norm_w,
        'lfeat_norm_w': lfeat_norm_w,
        'fc_w': fc_w,
        'fc_b': fc_b,
    }


def _normalize_scale(x, w):
    # F.normalize(x, p=2, dim=1) * weight, eps=1e-12
    n = jnp.sqrt(jnp.sum(x * x, axis=1, keepdims=True))
    return x / jnp.maximum(n, 1e-12) * w


def reference(cxt_feats, cxt_lfeats, obj_attn, wo_obj_idx, dist,
              fc7_norm_w, lfeat_norm_w, fc_w, fc_b):
    max_sim = jnp.max(obj_attn, axis=1)
    max_id = jnp.argmax(obj_attn, axis=1)
    sent_num = obj_attn.shape[0]
    ann_num = cxt_feats.shape[0]
    batch = sent_num * ann_num
    filtered_idx = (max_sim == 0.0)
    # gather: rel_feats[i] = cxt_feats[max_id[i]]
    rel_feats = jnp.take(cxt_feats, max_id, axis=0)  # [S, FC7]
    # rel_lfeats[i] = cxt_lfeats[:, max_id[i], :] -> stack over i => [S, ANN, 5]
    rel_lfeats = jnp.transpose(jnp.take(cxt_lfeats, max_id, axis=1), (1, 0, 2))
    dists = jnp.transpose(jnp.take(dist, max_id, axis=1), (1, 0, 2))  # [S, ANN, 1]
    # expand and mask (scatter-overwrite on masked rows)
    rel_feats = jnp.broadcast_to(rel_feats[:, None, :], (sent_num, ann_num, cxt_feats.shape[1]))
    mask = filtered_idx[:, None, None]
    rel_feats = jnp.where(mask, 0.0, rel_feats)
    rel_lfeats = jnp.where(mask, 0.0, rel_lfeats)
    dists = jnp.where(mask, 100.0, dists)
    rf = _normalize_scale(rel_feats.reshape(batch, -1), fc7_norm_w)
    rl = _normalize_scale(rel_lfeats.reshape(-1, 5), lfeat_norm_w)
    concat = jnp.concatenate([rf, rl], axis=1)
    rel_feats_fuse = concat @ fc_w.T + fc_b
    rel_feats_fuse = rel_feats_fuse.reshape(sent_num, ann_num, -1)
    return (rel_feats_fuse, jnp.squeeze(dists, axis=2), max_id)

if __name__ == "__main__":
    import jax
    _d = setup_inputs()
    print(jax.jit(kernel)(*tuple(_d.values())))

</pallas_src>

<mosaic_0001>
#map = affine_map<(d0, d1) -> (0, 0)>
module attributes {stable_mosaic.version = 14 : i64} {
  func.func @_sc_kernel(%arg0: i32, %arg1: i32, %arg2: memref<64x256xf32, #tpu.memory_space<hbm>>, %arg3: memref<256x256xf32, #tpu.memory_space<hbm>>, %arg4: memref<64x256xf32, #tpu.memory_space<hbm>>, %arg5: memref<64x16xi32, #tpu.memory_space<hbm>>, %arg6: memref<1x256xf32, #tpu.memory_space<vmem>>, %arg7: memref<16x256xf32, #tpu.memory_space<vmem>>, %arg8: memref<1x256xf32, #tpu.memory_space<vmem>>, %arg9: memref<16xi32, #tpu.memory_space<vmem>>, %arg10: memref<1x16xi32, #tpu.memory_space<vmem>>, %arg11: memref<!tpu.dma_semaphore, #tpu.memory_space<semaphore_mem>>) attributes {dimension_semantics = [#tpu.dimension_semantics<core_parallel>, #tpu.dimension_semantics<subcore_parallel>], iteration_bounds = array<i64: 2, 16>, scalar_prefetch = 0 : i64, scratch_operands = 6 : i64, tpu.core_type = #tpu.core_type<sc_vector_subcore>, window_params = [{transform_indices = #map}, {transform_indices = #map}, {transform_indices = #map}, {transform_indices = #map}]} {
    %mul3A = arith.constant 2 : i32
    %mul3A_0 = arith.muli %arg1, %mul3A : i32
    %add3A = arith.addi %mul3A_0, %arg0 : i32
    %iota3A = tpu.iota {dimensions = array<i32: 0>} : vector<16xi32>
    %mul3A_1 = arith.constant 2 : i32
    %mul3A_2 = arith.muli %add3A, %mul3A_1 : i32
    %add3A_3 = arith.constant 0 : i32
    %add3A_4 = arith.addi %mul3A_2, %add3A_3 : i32
    "tpu.region"() ({
      %run_scoped3A = tpu.sem_alloc : memref<!tpu.dma_semaphore, #tpu.memory_space<semaphore_mem>>
      %dma_start3A_1203 = arith.constant 0 : i32
      %dma_start3A_1204 = tpu.memref_slice %arg2[%add3A_4, %dma_start3A_1203] : memref<64x256xf32, #tpu.memory_space<hbm>> -> memref<1x256xf32, #tpu.memory_space<hbm>>
      %dma_start3A_1205 = arith.constant 0 : i32
      %dma_start3A_1206 = tpu.memref_slice %arg2[%add3A_4, %dma_start3A_1205] : memref<64x256xf32, #tpu.memory_space<hbm>> -> memref<1x256xf32, #tpu.memory_space<hbm>>
      tpu.enqueue_dma source(%dma_start3A_1206 : memref<1x256xf32, #tpu.memory_space<hbm>>) target(%arg6 : memref<1x256xf32, #tpu.memory_space<vmem>>) target_semaphore(%run_scoped3A : memref<!tpu.dma_semaphore, #tpu.memory_space<semaphore_mem>>)
      %dma_wait3A_1207 = arith.constant 0 : i32
      %dma_wait3A_1208 = tpu.memref_slice %arg2[%add3A_4, %dma_wait3A_1207] : memref<64x256xf32, #tpu.memory_space<hbm>> -> memref<1x256xf32, #tpu.memory_space<hbm>>
      %dma_wait3A_1209 = arith.constant 0 : i32
      %dma_wait3A_1210 = tpu.memref_slice %arg2[%add3A_4, %dma_wait3A_1209] : memref<64x256xf32, #tpu.memory_space<hbm>> -> memref<1x256xf32, #tpu.memory_space<hbm>>
      tpu.wait_dma2 semaphore(%run_scoped3A : memref<!tpu.dma_semaphore, #tpu.memory_space<semaphore_mem>>) src(%dma_wait3A_1210 : memref<1x256xf32, #tpu.memory_space<hbm>>) dst(%arg6 : memref<1x256xf32, #tpu.memory_space<vmem>>)
      tpu.yield
    }) : () -> ()
    %broadcast_in_dim3A = arith.constant 0xFF800000 : f32
    %broadcast_in_dim3A_5 = vector.broadcast %broadcast_in_dim3A : f32 to vector<16xf32>
    %get3A = arith.constant 0 : i32
    %get3A_6 = arith.index_cast %get3A : i32 to index
    %get3A_7 = arith.constant 0 : index
    %get3A_8 = tpu.vector_load %arg6[%get3A_6, %get3A_7] {strides = array<i32>} : memref<1x256xf32, #tpu.memory_space<vmem>>, vector<1x16xf32>,
    %get3A_9 = vector.shape_cast %get3A_8 : vector<1x16xf32> to vector<16xf32>
    %max3A = arith.maximumf %broadcast_in_dim3A_5, %get3A_9 : vector<16xf32>
    %get3A_10 = arith.constant 0 : i32
    %get3A_11 = arith.index_cast %get3A_10 : i32 to index
    %get3A_12 = arith.constant 16 : index
    %get3A_13 = tpu.vector_load %arg6[%get3A_11, %get3A_12] {strides = array<i32>} : memref<1x256xf32, #tpu.memory_space<vmem>>, vector<1x16xf32>,
    %get3A_14 = vector.shape_cast %get3A_13 : vector<1x16xf32> to vector<16xf32>
    %max3A_15 = arith.maximumf %max3A, %get3A_14 : vector<16xf32>
    %get3A_16 = arith.constant 0 : i32
    %get3A_17 = arith.index_cast %get3A_16 : i32 to index
    %get3A_18 = arith.constant 32 : index
    %get3A_19 = tpu.vector_load %arg6[%get3A_17, %get3A_18] {strides = array<i32>} : memref<1x256xf32, #tpu.memory_space<vmem>>, vector<1x16xf32>,
    %get3A_20 = vector.shape_cast %get3A_19 : vector<1x16xf32> to vector<16xf32>
    %max3A_21 = arith.maximumf %max3A_15, %get3A_20 : vector<16xf32>
    %get3A_22 = arith.constant 0 : i32
    %get3A_23 = arith.index_cast %get3A_22 : i32 to index
    %get3A_24 = arith.constant 48 : index
    %get3A_25 = tpu.vector_load %arg6[%get3A_23, %get3A_24] {strides = array<i32>} : memref<1x256xf32, #tpu.memory_space<vmem>>, vector<1x16xf32>,
    %get3A_26 = vector.shape_cast %get3A_25 : vector<1x16xf32> to vector<16xf32>
    %max3A_27 = arith.maximumf %max3A_21, %get3A_26 : vector<16xf32>
    %get3A_28 = arith.constant 0 : i32
    %get3A_29 = arith.index_cast %get3A_28 : i32 to index
    %get3A_30 = arith.constant 64 : index
    %get3A_31 = tpu.vector_load %arg6[%get3A_29, %get3A_30] {strides = array<i32>} : memref<1x256xf32, #tpu.memory_space<vmem>>, vector<1x16xf32>,
    %get3A_32 = vector.shape_cast %get3A_31 : vector<1x16xf32> to vector<16xf32>
    %max3A_33 = arith.maximumf %max3A_27, %get3A_32 : vector<16xf32>
    %get3A_34 = arith.constant 0 : i32
    %get3A_35 = arith.index_cast %get3A_34 : i32 to index
    %get3A_36 = arith.constant 80 : index
    %get3A_37 = tpu.vector_load %arg6[%get3A_35, %get3A_36] {strides = array<i32>} : memref<1x256xf32, #tpu.memory_space<vmem>>, vector<1x16xf32>,
    %get3A_38 = vector.shape_cast %get3A_37 : vector<1x16xf32> to vector<16xf32>
    %max3A_39 = arith.maximumf %max3A_33, %get3A_38 : vector<16xf32>
    %get3A_40 = arith.constant 0 : i32
    %get3A_41 = arith.index_cast %get3A_40 : i32 to index
    %get3A_42 = arith.constant 96 : index
    %get3A_43 = tpu.vector_load %arg6[%get3A_41, %get3A_42] {strides = array<i32>} : memref<1x256xf32, #tpu.memory_space<vmem>>, vector<1x16xf32>,
    %get3A_44 = vector.shape_cast %get3A_43 : vector<1x16xf32> to vector<16xf32>
    %max3A_45 = arith.maximumf %max3A_39, %get3A_44 : vector<16xf32>
    %get3A_46 = arith.constant 0 : i32
    %get3A_47 = arith.index_cast %get3A_46 : i32 to index
    %get3A_48 = arith.constant 112 : index
    %get3A_49 = tpu.vector_load %arg6[%get3A_47, %get3A_48] {strides = array<i32>} : memref<1x256xf32, #tpu.memory_space<vmem>>, vector<1x16xf32>,
    %get3A_50 = vector.shape_cast %get3A_49 : vector<1x16xf32> to vector<16xf32>
    %max3A_51 = arith.maximumf %max3A_45, %get3A_50 : vector<16xf32>
    %get3A_52 = arith.constant 0 : i32
    %get3A_53 = arith.index_cast %get3A_52 : i32 to index
    %get3A_54 = arith.constant 128 : index
    %get3A_55 = tpu.vector_load %arg6[%get3A_53, %get3A_54] {strides = array<i32>} : memref<1x256xf32, #tpu.memory_space<vmem>>, vector<1x16xf32>,
    %get3A_56 = vector.shape_cast %get3A_55 : vector<1x16xf32> to vector<16xf32>
    %max3A_57 = arith.maximumf %max3A_51, %get3A_56 : vector<16xf32>
    %get3A_58 = arith.constant 0 : i32
    %get3A_59 = arith.index_cast %get3A_58 : i32 to index
    %get3A_60 = arith.constant 144 : index
    %get3A_61 = tpu.vector_load %arg6[%get3A_59, %get3A_60] {strides = array<i32>} : memref<1x256xf32, #tpu.memory_space<vmem>>, vector<1x16xf32>,
    %get3A_62 = vector.shape_cast %get3A_61 : vector<1x16xf32> to vector<16xf32>
    %max3A_63 = arith.maximumf %max3A_57, %get3A_62 : vector<16xf32>
    %get3A_64 = arith.constant 0 : i32
    %get3A_65 = arith.index_cast %get3A_64 : i32 to index
    %get3A_66 = arith.constant 160 : index
    %get3A_67 = tpu.vector_load %arg6[%get3A_65, %get3A_66] {strides = array<i32>} : memref<1x256xf32, #tpu.memory_space<vmem>>, vector<1x16xf32>,
    %get3A_68 = vector.shape_cast %get3A_67 : vector<1x16xf32> to vector<16xf32>
    %max3A_69 = arith.maximumf %max3A_63, %get3A_68 : vector<16xf32>
    %get3A_70 = arith.constant 0 : i32
    %get3A_71 = arith.index_cast %get3A_70 : i32 to index
    %get3A_72 = arith.constant 176 : index
    %get3A_73 = tpu.vector_load %arg6[%get3A_71, %get3A_72] {strides = array<i32>} : memref<1x256xf32, #tpu.memory_space<vmem>>, vector<1x16xf32>,
    %get3A_74 = vector.shape_cast %get3A_73 : vector<1x16xf32> to vector<16xf32>
    %max3A_75 = arith.maximumf %max3A_69, %get3A_74 : vector<16xf32>
    %get3A_76 = arith.constant 0 : i32
    %get3A_77 = arith.index_cast %get3A_76 : i32 to index
    %get3A_78 = arith.constant 192 : index
    %get3A_79 = tpu.vector_load %arg6[%get3A_77, %get3A_78] {strides = array<i32>} : memref<1x256xf32, #tpu.memory_space<vmem>>, vector<1x16xf32>,
    %get3A_80 = vector.shape_cast %get3A_79 : vector<1x16xf32> to vector<16xf32>
    %max3A_81 = arith.maximumf %max3A_75, %get3A_80 : vector<16xf32>
    %get3A_82 = arith.constant 0 : i32
    %get3A_83 = arith.index_cast %get3A_82 : i32 to index
    %get3A_84 = arith.constant 208 : index
    %get3A_85 = tpu.vector_load %arg6[%get3A_83, %get3A_84] {strides = array<i32>} : memref<1x256xf32, #tpu.memory_space<vmem>>, vector<1x16xf32>,
    %get3A_86 = vector.shape_cast %get3A_85 : vector<1x16xf32> to vector<16xf32>
    %max3A_87 = arith.maximumf %max3A_81, %get3A_86 : vector<16xf32>
    %get3A_88 = arith.constant 0 : i32
    %get3A_89 = arith.index_cast %get3A_88 : i32 to index
    %get3A_90 = arith.constant 224 : index
    %get3A_91 = tpu.vector_load %arg6[%get3A_89, %get3A_90] {strides = array<i32>} : memref<1x256xf32, #tpu.memory_space<vmem>>, vector<1x16xf32>,
    %get3A_92 = vector.shape_cast %get3A_91 : vector<1x16xf32> to vector<16xf32>
    %max3A_93 = arith.maximumf %max3A_87, %get3A_92 : vector<16xf32>
    %get3A_94 = arith.constant 0 : i32
    %get3A_95 = arith.index_cast %get3A_94 : i32 to index
    %get3A_96 = arith.constant 240 : index
    %get3A_97 = tpu.vector_load %arg6[%get3A_95, %get3A_96] {strides = array<i32>} : memref<1x256xf32, #tpu.memory_space<vmem>>, vector<1x16xf32>,
    %get3A_98 = vector.shape_cast %get3A_97 : vector<1x16xf32> to vector<16xf32>
    %max3A_99 = arith.maximumf %max3A_93, %get3A_98 : vector<16xf32>
    %iota3A_100 = tpu.iota {dimensions = array<i32: 0>} : vector<16xi32>
    %xor3A = arith.constant 1 : i32
    %xor3A_101 = vector.broadcast %xor3A : i32 to vector<16xi32>
    %xor3A_102 = arith.xori %iota3A_100, %xor3A_101 : vector<16xi32>
    %reshape3A = vector.shape_cast %xor3A_102 : vector<16xi32> to vector<16x1xi32>
    %gather3A = vector.shape_cast %reshape3A : vector<16x1xi32> to vector<16xi32>
    %gather3A_103 = tpu.dynamic_gather %max3A_99[%gather3A] in [0] : vector<16xf32>, vector<16xi32> -> vector<16xf32>
    %max3A_104 = arith.maximumf %max3A_99, %gather3A_103 : vector<16xf32>
    %xor3A_105 = arith.constant 2 : i32
    %xor3A_106 = vector.broadcast %xor3A_105 : i32 to vector<16xi32>
    %xor3A_107 = arith.xori %iota3A_100, %xor3A_106 : vector<16xi32>
    %reshape3A_108 = vector.shape_cast %xor3A_107 : vector<16xi32> to vector<16x1xi32>
    %gather3A_109 = vector.shape_cast %reshape3A_108 : vector<16x1xi32> to vector<16xi32>
    %gather3A_110 = tpu.dynamic_gather %max3A_104[%gather3A_109] in [0] : vector<16xf32>, vector<16xi32> -> vector<16xf32>
    %max3A_111 = arith.maximumf %max3A_104, %gather3A_110 : vector<16xf32>
    %xor3A_112 = arith.constant 4 : i32
    %xor3A_113 = vector.broadcast %xor3A_112 : i32 to vector<16xi32>
    %xor3A_114 = arith.xori %iota3A_100, %xor3A_113 : vector<16xi32>
    %reshape3A_115 = vector.shape_cast %xor3A_114 : vector<16xi32> to vector<16x1xi32>
    %gather3A_116 = vector.shape_cast %reshape3A_115 : vector<16x1xi32> to vector<16xi32>
    %gather3A_117 = tpu.dynamic_gather %max3A_111[%gather3A_116] in [0] : vector<16xf32>, vector<16xi32> -> vector<16xf32>
    %max3A_118 = arith.maximumf %max3A_111, %gather3A_117 : vector<16xf32>
    %xor3A_119 = arith.constant 8 : i32
    %xor3A_120 = vector.broadcast %xor3A_119 : i32 to vector<16xi32>
    %xor3A_121 = arith.xori %iota3A_100, %xor3A_120 : vector<16xi32>
    %reshape3A_122 = vector.shape_cast %xor3A_121 : vector<16xi32> to vector<16x1xi32>
    %gather3A_123 = vector.shape_cast %reshape3A_122 : vector<16x1xi32> to vector<16xi32>
    %gather3A_124 = tpu.dynamic_gather %max3A_118[%gather3A_123] in [0] : vector<16xf32>, vector<16xi32> -> vector<16xf32>
    %max3A_125 = arith.maximumf %max3A_118, %gather3A_124 : vector<16xf32>
    %broadcast_in_dim3A_126 = arith.constant 256 : i32
    %broadcast_in_dim3A_127 = vector.broadcast %broadcast_in_dim3A_126 : i32 to vector<16xi32>
    %get3A_128 = arith.constant 0 : i32
    %get3A_129 = arith.index_cast %get3A_128 : i32 to index
    %get3A_130 = arith.constant 0 : index
    %get3A_131 = tpu.vector_load %arg6[%get3A_129, %get3A_130] {strides = array<i32>} : memref<1x256xf32, #tpu.memory_space<vmem>>, vector<1x16xf32>,
    %get3A_132 = vector.shape_cast %get3A_131 : vector<1x16xf32> to vector<16xf32>
    %eq3A = arith.cmpf oeq, %get3A_132, %max3A_125 : vector<16xf32>
    %add3A_133 = arith.constant 0 : i32
    %add3A_134 = vector.broadcast %add3A_133 : i32 to vector<16xi32>
    %add3A_135 = arith.addi %iota3A, %add3A_134 : vector<16xi32>
    %jit3A = arith.constant 256 : i32
    %broadcast_in_dim3A_136 = vector.broadcast %jit3A : i32 to vector<16xi32>
    %select_n3A = arith.select %eq3A, %add3A_135, %broadcast_in_dim3A_136 : vector<16xi1>, vector<16xi32>
    %min3A = arith.minsi %broadcast_in_dim3A_127, %select_n3A : vector<16xi32>
    %get3A_137 = arith.constant 0 : i32
    %get3A_138 = arith.index_cast %get3A_137 : i32 to index
    %get3A_139 = arith.constant 16 : index
    %get3A_140 = tpu.vector_load %arg6[%get3A_138, %get3A_139] {strides = array<i32>} : memref<1x256xf32, #tpu.memory_space<vmem>>, vector<1x16xf32>,
    %get3A_141 = vector.shape_cast %get3A_140 : vector<1x16xf32> to vector<16xf32>
    %eq3A_142 = arith.cmpf oeq, %get3A_141, %max3A_125 : vector<16xf32>
    %add3A_143 = arith.constant 16 : i32
    %add3A_144 = vector.broadcast %add3A_143 : i32 to vector<16xi32>
    %add3A_145 = arith.addi %iota3A, %add3A_144 : vector<16xi32>
    %jit3A_146 = arith.constant 256 : i32
    %broadcast_in_dim3A_147 = vector.broadcast %jit3A_146 : i32 to vector<16xi32>
    %select_n3A_148 = arith.select %eq3A_142, %add3A_145, %broadcast_in_dim3A_147 : vector<16xi1>, vector<16xi32>
    %min3A_149 = arith.minsi %min3A, %select_n3A_148 : vector<16xi32>
    %get3A_150 = arith.constant 0 : i32
    %get3A_151 = arith.index_cast %get3A_150 : i32 to index
    %get3A_152 = arith.constant 32 : index
    %get3A_153 = tpu.vector_load %arg6[%get3A_151, %get3A_152] {strides = array<i32>} : memref<1x256xf32, #tpu.memory_space<vmem>>, vector<1x16xf32>,
    %get3A_154 = vector.shape_cast %get3A_153 : vector<1x16xf32> to vector<16xf32>
    %eq3A_155 = arith.cmpf oeq, %get3A_154, %max3A_125 : vector<16xf32>
    %add3A_156 = arith.constant 32 : i32
    %add3A_157 = vector.broadcast %add3A_156 : i32 to vector<16xi32>
    %add3A_158 = arith.addi %iota3A, %add3A_157 : vector<16xi32>
    %jit3A_159 = arith.constant 256 : i32
    %broadcast_in_dim3A_160 = vector.broadcast %jit3A_159 : i32 to vector<16xi32>
    %select_n3A_161 = arith.select %eq3A_155, %add3A_158, %broadcast_in_dim3A_160 : vector<16xi1>, vector<16xi32>
    %min3A_162 = arith.minsi %min3A_149, %select_n3A_161 : vector<16xi32>
    %get3A_163 = arith.constant 0 : i32
    %get3A_164 = arith.index_cast %get3A_163 : i32 to index
    %get3A_165 = arith.constant 48 : index
    %get3A_166 = tpu.vector_load %arg6[%get3A_164, %get3A_165] {strides = array<i32>} : memref<1x256xf32, #tpu.memory_space<vmem>>, vector<1x16xf32>,
    %get3A_167 = vector.shape_cast %get3A_166 : vector<1x16xf32> to vector<16xf32>
    %eq3A_168 = arith.cmpf oeq, %get3A_167, %max3A_125 : vector<16xf32>
    %add3A_169 = arith.constant 48 : i32
    %add3A_170 = vector.broadcast %add3A_169 : i32 to vector<16xi32>
    %add3A_171 = arith.addi %iota3A, %add3A_170 : vector<16xi32>
    %jit3A_172 = arith.constant 256 : i32
    %broadcast_in_dim3A_173 = vector.broadcast %jit3A_172 : i32 to vector<16xi32>
    %select_n3A_174 = arith.select %eq3A_168, %add3A_171, %broadcast_in_dim3A_173 : vector<16xi1>, vector<16xi32>
    %min3A_175 = arith.minsi %min3A_162, %select_n3A_174 : vector<16xi32>
    %get3A_176 = arith.constant 0 : i32
    %get3A_177 = arith.index_cast %get3A_176 : i32 to index
    %get3A_178 = arith.constant 64 : index
    %get3A_179 = tpu.vector_load %arg6[%get3A_177, %get3A_178] {strides = array<i32>} : memref<1x256xf32, #tpu.memory_space<vmem>>, vector<1x16xf32>,
    %get3A_180 = vector.shape_cast %get3A_179 : vector<1x16xf32> to vector<16xf32>
    %eq3A_181 = arith.cmpf oeq, %get3A_180, %max3A_125 : vector<16xf32>
    %add3A_182 = arith.constant 64 : i32
    %add3A_183 = vector.broadcast %add3A_182 : i32 to vector<16xi32>
    %add3A_184 = arith.addi %iota3A, %add3A_183 : vector<16xi32>
    %jit3A_185 = arith.constant 256 : i32
    %broadcast_in_dim3A_186 = vector.broadcast %jit3A_185 : i32 to vector<16xi32>
    %select_n3A_187 = arith.select %eq3A_181, %add3A_184, %broadcast_in_dim3A_186 : vector<16xi1>, vector<16xi32>
    %min3A_188 = arith.minsi %min3A_175, %select_n3A_187 : vector<16xi32>
    %get3A_189 = arith.constant 0 : i32
    %get3A_190 = arith.index_cast %get3A_189 : i32 to index
    %get3A_191 = arith.constant 80 : index
    %get3A_192 = tpu.vector_load %arg6[%get3A_190, %get3A_191] {strides = array<i32>} : memref<1x256xf32, #tpu.memory_space<vmem>>, vector<1x16xf32>,
    %get3A_193 = vector.shape_cast %get3A_192 : vector<1x16xf32> to vector<16xf32>
    %eq3A_194 = arith.cmpf oeq, %get3A_193, %max3A_125 : vector<16xf32>
    %add3A_195 = arith.constant 80 : i32
    %add3A_196 = vector.broadcast %add3A_195 : i32 to vector<16xi32>
    %add3A_197 = arith.addi %iota3A, %add3A_196 : vector<16xi32>
    %jit3A_198 = arith.constant 256 : i32
    %broadcast_in_dim3A_199 = vector.broadcast %jit3A_198 : i32 to vector<16xi32>
    %select_n3A_200 = arith.select %eq3A_194, %add3A_197, %broadcast_in_dim3A_199 : vector<16xi1>, vector<16xi32>
    %min3A_201 = arith.minsi %min3A_188, %select_n3A_200 : vector<16xi32>
    %get3A_202 = arith.constant 0 : i32
    %get3A_203 = arith.index_cast %get3A_202 : i32 to index
    %get3A_204 = arith.constant 96 : index
    %get3A_205 = tpu.vector_load %arg6[%get3A_203, %get3A_204] {strides = array<i32>} : memref<1x256xf32, #tpu.memory_space<vmem>>, vector<1x16xf32>,
    %get3A_206 = vector.shape_cast %get3A_205 : vector<1x16xf32> to vector<16xf32>
    %eq3A_207 = arith.cmpf oeq, %get3A_206, %max3A_125 : vector<16xf32>
    %add3A_208 = arith.constant 96 : i32
    %add3A_209 = vector.broadcast %add3A_208 : i32 to vector<16xi32>
    %add3A_210 = arith.addi %iota3A, %add3A_209 : vector<16xi32>
    %jit3A_211 = arith.constant 256 : i32
    %broadcast_in_dim3A_212 = vector.broadcast %jit3A_211 : i32 to vector<16xi32>
    %select_n3A_213 = arith.select %eq3A_207, %add3A_210, %broadcast_in_dim3A_212 : vector<16xi1>, vector<16xi32>
    %min3A_214 = arith.minsi %min3A_201, %select_n3A_213 : vector<16xi32>
    %get3A_215 = arith.constant 0 : i32
    %get3A_216 = arith.index_cast %get3A_215 : i32 to index
    %get3A_217 = arith.constant 112 : index
    %get3A_218 = tpu.vector_load %arg6[%get3A_216, %get3A_217] {strides = array<i32>} : memref<1x256xf32, #tpu.memory_space<vmem>>, vector<1x16xf32>,
    %get3A_219 = vector.shape_cast %get3A_218 : vector<1x16xf32> to vector<16xf32>
    %eq3A_220 = arith.cmpf oeq, %get3A_219, %max3A_125 : vector<16xf32>
    %add3A_221 = arith.constant 112 : i32
    %add3A_222 = vector.broadcast %add3A_221 : i32 to vector<16xi32>
    %add3A_223 = arith.addi %iota3A, %add3A_222 : vector<16xi32>
    %jit3A_224 = arith.constant 256 : i32
    %broadcast_in_dim3A_225 = vector.broadcast %jit3A_224 : i32 to vector<16xi32>
    %select_n3A_226 = arith.select %eq3A_220, %add3A_223, %broadcast_in_dim3A_225 : vector<16xi1>, vector<16xi32>
    %min3A_227 = arith.minsi %min3A_214, %select_n3A_226 : vector<16xi32>
    %get3A_228 = arith.constant 0 : i32
    %get3A_229 = arith.index_cast %get3A_228 : i32 to index
    %get3A_230 = arith.constant 128 : index
    %get3A_231 = tpu.vector_load %arg6[%get3A_229, %get3A_230] {strides = array<i32>} : memref<1x256xf32, #tpu.memory_space<vmem>>, vector<1x16xf32>,
    %get3A_232 = vector.shape_cast %get3A_231 : vector<1x16xf32> to vector<16xf32>
    %eq3A_233 = arith.cmpf oeq, %get3A_232, %max3A_125 : vector<16xf32>
    %add3A_234 = arith.constant 128 : i32
    %add3A_235 = vector.broadcast %add3A_234 : i32 to vector<16xi32>
    %add3A_236 = arith.addi %iota3A, %add3A_235 : vector<16xi32>
    %jit3A_237 = arith.constant 256 : i32
    %broadcast_in_dim3A_238 = vector.broadcast %jit3A_237 : i32 to vector<16xi32>
    %select_n3A_239 = arith.select %eq3A_233, %add3A_236, %broadcast_in_dim3A_238 : vector<16xi1>, vector<16xi32>
    %min3A_240 = arith.minsi %min3A_227, %select_n3A_239 : vector<16xi32>
    %get3A_241 = arith.constant 0 : i32
    %get3A_242 = arith.index_cast %get3A_241 : i32 to index
    %get3A_243 = arith.constant 144 : index
    %get3A_244 = tpu.vector_load %arg6[%get3A_242, %get3A_243] {strides = array<i32>} : memref<1x256xf32, #tpu.memory_space<vmem>>, vector<1x16xf32>,
    %get3A_245 = vector.shape_cast %get3A_244 : vector<1x16xf32> to vector<16xf32>
    %eq3A_246 = arith.cmpf oeq, %get3A_245, %max3A_125 : vector<16xf32>
    %add3A_247 = arith.constant 144 : i32
    %add3A_248 = vector.broadcast %add3A_247 : i32 to vector<16xi32>
    %add3A_249 = arith.addi %iota3A, %add3A_248 : vector<16xi32>
    %jit3A_250 = arith.constant 256 : i32
    %broadcast_in_dim3A_251 = vector.broadcast %jit3A_250 : i32 to vector<16xi32>
    %select_n3A_252 = arith.select %eq3A_246, %add3A_249, %broadcast_in_dim3A_251 : vector<16xi1>, vector<16xi32>
    %min3A_253 = arith.minsi %min3A_240, %select_n3A_252 : vector<16xi32>
    %get3A_254 = arith.constant 0 : i32
    %get3A_255 = arith.index_cast %get3A_254 : i32 to index
    %get3A_256 = arith.constant 160 : index
    %get3A_257 = tpu.vector_load %arg6[%get3A_255, %get3A_256] {strides = array<i32>} : memref<1x256xf32, #tpu.memory_space<vmem>>, vector<1x16xf32>,
    %get3A_258 = vector.shape_cast %get3A_257 : vector<1x16xf32> to vector<16xf32>
    %eq3A_259 = arith.cmpf oeq, %get3A_258, %max3A_125 : vector<16xf32>
    %add3A_260 = arith.constant 160 : i32
    %add3A_261 = vector.broadcast %add3A_260 : i32 to vector<16xi32>
    %add3A_262 = arith.addi %iota3A, %add3A_261 : vector<16xi32>
    %jit3A_263 = arith.constant 256 : i32
    %broadcast_in_dim3A_264 = vector.broadcast %jit3A_263 : i32 to vector<16xi32>
    %select_n3A_265 = arith.select %eq3A_259, %add3A_262, %broadcast_in_dim3A_264 : vector<16xi1>, vector<16xi32>
    %min3A_266 = arith.minsi %min3A_253, %select_n3A_265 : vector<16xi32>
    %get3A_267 = arith.constant 0 : i32
    %get3A_268 = arith.index_cast %get3A_267 : i32 to index
    %get3A_269 = arith.constant 176 : index
    %get3A_270 = tpu.vector_load %arg6[%get3A_268, %get3A_269] {strides = array<i32>} : memref<1x256xf32, #tpu.memory_space<vmem>>, vector<1x16xf32>,
    %get3A_271 = vector.shape_cast %get3A_270 : vector<1x16xf32> to vector<16xf32>
    %eq3A_272 = arith.cmpf oeq, %get3A_271, %max3A_125 : vector<16xf32>
    %add3A_273 = arith.constant 176 : i32
    %add3A_274 = vector.broadcast %add3A_273 : i32 to vector<16xi32>
    %add3A_275 = arith.addi %iota3A, %add3A_274 : vector<16xi32>
    %jit3A_276 = arith.constant 256 : i32
    %broadcast_in_dim3A_277 = vector.broadcast %jit3A_276 : i32 to vector<16xi32>
    %select_n3A_278 = arith.select %eq3A_272, %add3A_275, %broadcast_in_dim3A_277 : vector<16xi1>, vector<16xi32>
    %min3A_279 = arith.minsi %min3A_266, %select_n3A_278 : vector<16xi32>
    %get3A_280 = arith.constant 0 : i32
    %get3A_281 = arith.index_cast %get3A_280 : i32 to index
    %get3A_282 = arith.constant 192 : index
    %get3A_283 = tpu.vector_load %arg6[%get3A_281, %get3A_282] {strides = array<i32>} : memref<1x256xf32, #tpu.memory_space<vmem>>, vector<1x16xf32>,
    %get3A_284 = vector.shape_cast %get3A_283 : vector<1x16xf32> to vector<16xf32>
    %eq3A_285 = arith.cmpf oeq, %get3A_284, %max3A_125 : vector<16xf32>
    %add3A_286 = arith.constant 192 : i32
    %add3A_287 = vector.broadcast %add3A_286 : i32 to vector<16xi32>
    %add3A_288 = arith.addi %iota3A, %add3A_287 : vector<16xi32>
    %jit3A_289 = arith.constant 256 : i32
    %broadcast_in_dim3A_290 = vector.broadcast %jit3A_289 : i32 to vector<16xi32>
    %select_n3A_291 = arith.select %eq3A_285, %add3A_288, %broadcast_in_dim3A_290 : vector<16xi1>, vector<16xi32>
    %min3A_292 = arith.minsi %min3A_279, %select_n3A_291 : vector<16xi32>
    %get3A_293 = arith.constant 0 : i32
    %get3A_294 = arith.index_cast %get3A_293 : i32 to index
    %get3A_295 = arith.constant 208 : index
    %get3A_296 = tpu.vector_load %arg6[%get3A_294, %get3A_295] {strides = array<i32>} : memref<1x256xf32, #tpu.memory_space<vmem>>, vector<1x16xf32>,
    %get3A_297 = vector.shape_cast %get3A_296 : vector<1x16xf32> to vector<16xf32>
    %eq3A_298 = arith.cmpf oeq, %get3A_297, %max3A_125 : vector<16xf32>
    %add3A_299 = arith.constant 208 : i32
    %add3A_300 = vector.broadcast %add3A_299 : i32 to vector<16xi32>
    %add3A_301 = arith.addi %iota3A, %add3A_300 : vector<16xi32>
    %jit3A_302 = arith.constant 256 : i32
    %broadcast_in_dim3A_303 = vector.broadcast %jit3A_302 : i32 to vector<16xi32>
    %select_n3A_304 = arith.select %eq3A_298, %add3A_301, %broadcast_in_dim3A_303 : vector<16xi1>, vector<16xi32>
    %min3A_305 = arith.minsi %min3A_292, %select_n3A_304 : vector<16xi32>
    %get3A_306 = arith.constant 0 : i32
    %get3A_307 = arith.index_cast %get3A_306 : i32 to index
    %get3A_308 = arith.constant 224 : index
    %get3A_309 = tpu.vector_load %arg6[%get3A_307, %get3A_308] {strides = array<i32>} : memref<1x256xf32, #tpu.memory_space<vmem>>, vector<1x16xf32>,
    %get3A_310 = vector.shape_cast %get3A_309 : vector<1x16xf32> to vector<16xf32>
    %eq3A_311 = arith.cmpf oeq, %get3A_310, %max3A_125 : vector<16xf32>
    %add3A_312 = arith.constant 224 : i32
    %add3A_313 = vector.broadcast %add3A_312 : i32 to vector<16xi32>
    %add3A_314 = arith.addi %iota3A, %add3A_313 : vector<16xi32>
    %jit3A_315 = arith.constant 256 : i32
    %broadcast_in_dim3A_316 = vector.broadcast %jit3A_315 : i32 to vector<16xi32>
    %select_n3A_317 = arith.select %eq3A_311, %add3A_314, %broadcast_in_dim3A_316 : vector<16xi1>, vector<16xi32>
    %min3A_318 = arith.minsi %min3A_305, %select_n3A_317 : vector<16xi32>
    %get3A_319 = arith.constant 0 : i32
    %get3A_320 = arith.index_cast %get3A_319 : i32 to index
    %get3A_321 = arith.constant 240 : index
    %get3A_322 = tpu.vector_load %arg6[%get3A_320, %get3A_321] {strides = array<i32>} : memref<1x256xf32, #tpu.memory_space<vmem>>, vector<1x16xf32>,
    %get3A_323 = vector.shape_cast %get3A_322 : vector<1x16xf32> to vector<16xf32>
    %eq3A_324 = arith.cmpf oeq, %get3A_323, %max3A_125 : vector<16xf32>
    %add3A_325 = arith.constant 240 : i32
    %add3A_326 = vector.broadcast %add3A_325 : i32 to vector<16xi32>
    %add3A_327 = arith.addi %iota3A, %add3A_326 : vector<16xi32>
    %jit3A_328 = arith.constant 256 : i32
    %broadcast_in_dim3A_329 = vector.broadcast %jit3A_328 : i32 to vector<16xi32>
    %select_n3A_330 = arith.select %eq3A_324, %add3A_327, %broadcast_in_dim3A_329 : vector<16xi1>, vector<16xi32>
    %min3A_331 = arith.minsi %min3A_318, %select_n3A_330 : vector<16xi32>
    %iota3A_332 = tpu.iota {dimensions = array<i32: 0>} : vector<16xi32>
    %xor3A_333 = arith.constant 1 : i32
    %xor3A_334 = vector.broadcast %xor3A_333 : i32 to vector<16xi32>
    %xor3A_335 = arith.xori %iota3A_332, %xor3A_334 : vector<16xi32>
    %reshape3A_336 = vector.shape_cast %xor3A_335 : vector<16xi32> to vector<16x1xi32>
    %gather3A_337 = vector.shape_cast %reshape3A_336 : vector<16x1xi32> to vector<16xi32>
    %gather3A_338 = tpu.dynamic_gather %min3A_331[%gather3A_337] in [0] : vector<16xi32>, vector<16xi32> -> vector<16xi32>
    %min3A_339 = arith.minsi %min3A_331, %gather3A_338 : vector<16xi32>
    %xor3A_340 = arith.constant 2 : i32
    %xor3A_341 = vector.broadcast %xor3A_340 : i32 to vector<16xi32>
    %xor3A_342 = arith.xori %iota3A_332, %xor3A_341 : vector<16xi32>
    %reshape3A_343 = vector.shape_cast %xor3A_342 : vector<16xi32> to vector<16x1xi32>
    %gather3A_344 = vector.shape_cast %reshape3A_343 : vector<16x1xi32> to vector<16xi32>
    %gather3A_345 = tpu.dynamic_gather %min3A_339[%gather3A_344] in [0] : vector<16xi32>, vector<16xi32> -> vector<16xi32>
    %min3A_346 = arith.minsi %min3A_339, %gather3A_345 : vector<16xi32>
    %xor3A_347 = arith.constant 4 : i32
    %xor3A_348 = vector.broadcast %xor3A_347 : i32 to vector<16xi32>
    %xor3A_349 = arith.xori %iota3A_332, %xor3A_348 : vector<16xi32>
    %reshape3A_350 = vector.shape_cast %xor3A_349 : vector<16xi32> to vector<16x1xi32>
    %gather3A_351 = vector.shape_cast %reshape3A_350 : vector<16x1xi32> to vector<16xi32>
    %gather3A_352 = tpu.dynamic_gather %min3A_346[%gather3A_351] in [0] : vector<16xi32>, vector<16xi32> -> vector<16xi32>
    %min3A_353 = arith.minsi %min3A_346, %gather3A_352 : vector<16xi32>
    %xor3A_354 = arith.constant 8 : i32
    %xor3A_355 = vector.broadcast %xor3A_354 : i32 to vector<16xi32>
    %xor3A_356 = arith.xori %iota3A_332, %xor3A_355 : vector<16xi32>
    %reshape3A_357 = vector.shape_cast %xor3A_356 : vector<16xi32> to vector<16x1xi32>
    %gather3A_358 = vector.shape_cast %reshape3A_357 : vector<16x1xi32> to vector<16xi32>
    %gather3A_359 = tpu.dynamic_gather %min3A_353[%gather3A_358] in [0] : vector<16xi32>, vector<16xi32> -> vector<16xi32>
    %min3A_360 = arith.minsi %min3A_353, %gather3A_359 : vector<16xi32>
    %swap3A = arith.constant 0 : i32
    %swap3A_361 = arith.index_cast %swap3A : i32 to index
    %swap3A_362 = arith.constant 0 : index
    %swap3A_363 = tpu.vector_load %arg10[%swap3A_361, %swap3A_362] {strides = array<i32>} : memref<1x16xi32, #tpu.memory_space<vmem>>, vector<1x16xi32>,
    %swap3A_364 = vector.shape_cast %swap3A_363 : vector<1x16xi32> to vector<16xi32>
    %swap3A_365 = vector.shape_cast %min3A_360 : vector<16xi32> to vector<1x16xi32>
    tpu.vector_store %arg10[%swap3A_361, %swap3A_362], %swap3A_365 {strides = array<i32>} : memref<1x16xi32, #tpu.memory_space<vmem>>, vector<1x16xi32>,
    "tpu.region"() ({
      %run_scoped3A = tpu.sem_alloc : memref<!tpu.dma_semaphore, #tpu.memory_space<semaphore_mem>>
      %dma_start3A_1203 = arith.constant 0 : i32
      %dma_start3A_1204 = tpu.memref_slice %arg5[%add3A_4, %dma_start3A_1203] : memref<64x16xi32, #tpu.memory_space<hbm>> -> memref<1x16xi32, #tpu.memory_space<hbm>>
      %dma_start3A_1205 = arith.constant 0 : i32
      %dma_start3A_1206 = tpu.memref_slice %arg5[%add3A_4, %dma_start3A_1205] : memref<64x16xi32, #tpu.memory_space<hbm>> -> memref<1x16xi32, #tpu.memory_space<hbm>>
      tpu.enqueue_dma source(%arg10 : memref<1x16xi32, #tpu.memory_space<vmem>>) target(%dma_start3A_1206 : memref<1x16xi32, #tpu.memory_space<hbm>>) target_semaphore(%run_scoped3A : memref<!tpu.dma_semaphore, #tpu.memory_space<semaphore_mem>>)
      %dma_wait3A_1207 = arith.constant 0 : i32
      %dma_wait3A_1208 = tpu.memref_slice %arg5[%add3A_4, %dma_wait3A_1207] : memref<64x16xi32, #tpu.memory_space<hbm>> -> memref<1x16xi32, #tpu.memory_space<hbm>>
      %dma_wait3A_1209 = arith.constant 0 : i32
      %dma_wait3A_1210 = tpu.memref_slice %arg5[%add3A_4, %dma_wait3A_1209] : memref<64x16xi32, #tpu.memory_space<hbm>> -> memref<1x16xi32, #tpu.memory_space<hbm>>
      tpu.wait_dma2 semaphore(%run_scoped3A : memref<!tpu.dma_semaphore, #tpu.memory_space<semaphore_mem>>) src(%arg10 : memref<1x16xi32, #tpu.memory_space<vmem>>) dst(%dma_wait3A_1210 : memref<1x16xi32, #tpu.memory_space<hbm>>)
      tpu.yield
    }) : () -> ()
    %swap3A_366 = arith.constant 0 : index
    %swap3A_367 = tpu.vector_load %arg9[%swap3A_366] {strides = array<i32>} : memref<16xi32, #tpu.memory_space<vmem>>, vector<16xi32>,
    %swap3A_368 = vector.shape_cast %swap3A_367 : vector<16xi32> to vector<16xi32>
    %swap3A_369 = vector.shape_cast %min3A_360 : vector<16xi32> to vector<16xi32>
    tpu.vector_store %arg9[%swap3A_366], %swap3A_369 {strides = array<i32>} : memref<16xi32, #tpu.memory_space<vmem>>, vector<16xi32>,
    %dma_start3A = arith.constant 0 : i32
    %dma_start3A_370 = arith.constant 0 : i32
    %dma_start3A_371 = tpu.memref_slice %arg3[%dma_start3A, %dma_start3A_370] : memref<256x256xf32, #tpu.memory_space<hbm>> -> memref<256x256xf32, #tpu.memory_space<hbm>>
    tpu.enqueue_indirect_dma source(%dma_start3A_371 : memref<256x256xf32, #tpu.memory_space<hbm>>) target(%arg7 : memref<16x256xf32, #tpu.memory_space<vmem>>) offsets(%arg9 : memref<16xi32, #tpu.memory_space<vmem>>) semaphore(%arg11 : memref<!tpu.dma_semaphore, #tpu.memory_space<semaphore_mem>>)
    %dma_wait3A = arith.constant 0 : i32
    %dma_wait3A_372 = arith.constant 0 : i32
    %dma_wait3A_373 = tpu.memref_slice %arg3[%dma_wait3A, %dma_wait3A_372] : memref<256x256xf32, #tpu.memory_space<hbm>> -> memref<256x256xf32, #tpu.memory_space<hbm>>
    tpu.wait_indirect_dma semaphore(%arg11 : memref<!tpu.dma_semaphore, #tpu.memory_space<semaphore_mem>>) src(%dma_wait3A_373 : memref<256x256xf32, #tpu.memory_space<hbm>>) dst(%arg7 : memref<16x256xf32, #tpu.memory_space<vmem>>)
    %eq3A_374 = arith.constant 0.000000e+00 : f32
    %eq3A_375 = vector.broadcast %eq3A_374 : f32 to vector<16xf32>
    %eq3A_376 = arith.cmpf oeq, %max3A_125, %eq3A_375 : vector<16xf32>
    %jit3A_377 = arith.constant 0.000000e+00 : f32
    %jit3A_378 = arith.constant 1.000000e+00 : f32
    %broadcast_in_dim3A_379 = vector.broadcast %jit3A_377 : f32 to vector<16xf32>
    %broadcast_in_dim3A_380 = vector.broadcast %jit3A_378 : f32 to vector<16xf32>
    %select_n3A_381 = arith.select %eq3A_376, %broadcast_in_dim3A_379, %broadcast_in_dim3A_380 : vector<16xi1>, vector<16xf32>
    %sub3A = arith.constant 1.000000e+00 : f32
    %sub3A_382 = vector.broadcast %sub3A : f32 to vector<16xf32>
    %sub3A_383 = arith.subf %sub3A_382, %select_n3A_381 : vector<16xf32>
    %mul3A_384 = arith.constant 1.000000e+02 : f32
    %mul3A_385 = vector.broadcast %mul3A_384 : f32 to vector<16xf32>
    %mul3A_386 = arith.mulf %sub3A_383, %mul3A_385 : vector<16xf32>
    %get3A_387 = arith.constant 0 : i32
    %get3A_388 = arith.index_cast %get3A_387 : i32 to index
    %get3A_389 = arith.constant 0 : index
    %get3A_390 = tpu.vector_load %arg7[%get3A_388, %get3A_389] {strides = array<i32>} : memref<16x256xf32, #tpu.memory_space<vmem>>, vector<1x16xf32>,
    %get3A_391 = vector.shape_cast %get3A_390 : vector<1x16xf32> to vector<16xf32>
    %mul3A_392 = arith.mulf %get3A_391, %select_n3A_381 : vector<16xf32>
    %add3A_393 = arith.addf %mul3A_392, %mul3A_386 : vector<16xf32>
    %swap3A_394 = arith.constant 0 : i32
    %swap3A_395 = arith.index_cast %swap3A_394 : i32 to index
    %swap3A_396 = arith.constant 0 : index
    %swap3A_397 = tpu.vector_load %arg8[%swap3A_395, %swap3A_396] {strides = array<i32>} : memref<1x256xf32, #tpu.memory_space<vmem>>, vector<1x16xf32>,
    %swap3A_398 = vector.shape_cast %swap3A_397 : vector<1x16xf32> to vector<16xf32>
    %swap3A_399 = vector.shape_cast %add3A_393 : vector<16xf32> to vector<1x16xf32>
    tpu.vector_store %arg8[%swap3A_395, %swap3A_396], %swap3A_399 {strides = array<i32>} : memref<1x256xf32, #tpu.memory_space<vmem>>, vector<1x16xf32>,
    %get3A_400 = arith.constant 0 : i32
    %get3A_401 = arith.index_cast %get3A_400 : i32 to index
    %get3A_402 = arith.constant 16 : index
    %get3A_403 = tpu.vector_load %arg7[%get3A_401, %get3A_402] {strides = array<i32>} : memref<16x256xf32, #tpu.memory_space<vmem>>, vector<1x16xf32>,
    %get3A_404 = vector.shape_cast %get3A_403 : vector<1x16xf32> to vector<16xf32>
    %mul3A_405 = arith.mulf %get3A_404, %select_n3A_381 : vector<16xf32>
    %add3A_406 = arith.addf %mul3A_405, %mul3A_386 : vector<16xf32>
    %swap3A_407 = arith.constant 0 : i32
    %swap3A_408 = arith.index_cast %swap3A_407 : i32 to index
    %swap3A_409 = arith.constant 16 : index
    %swap3A_410 = tpu.vector_load %arg8[%swap3A_408, %swap3A_409] {strides = array<i32>} : memref<1x256xf32, #tpu.memory_space<vmem>>, vector<1x16xf32>,
    %swap3A_411 = vector.shape_cast %swap3A_410 : vector<1x16xf32> to vector<16xf32>
    %swap3A_412 = vector.shape_cast %add3A_406 : vector<16xf32> to vector<1x16xf32>
    tpu.vector_store %arg8[%swap3A_408, %swap3A_409], %swap3A_412 {strides = array<i32>} : memref<1x256xf32, #tpu.memory_space<vmem>>, vector<1x16xf32>,
    %get3A_413 = arith.constant 0 : i32
    %get3A_414 = arith.index_cast %get3A_413 : i32 to index
    %get3A_415 = arith.constant 32 : index
    %get3A_416 = tpu.vector_load %arg7[%get3A_414, %get3A_415] {strides = array<i32>} : memref<16x256xf32, #tpu.memory_space<vmem>>, vector<1x16xf32>,
    %get3A_417 = vector.shape_cast %get3A_416 : vector<1x16xf32> to vector<16xf32>
    %mul3A_418 = arith.mulf %get3A_417, %select_n3A_381 : vector<16xf32>
    %add3A_419 = arith.addf %mul3A_418, %mul3A_386 : vector<16xf32>
    %swap3A_420 = arith.constant 0 : i32
    %swap3A_421 = arith.index_cast %swap3A_420 : i32 to index
    %swap3A_422 = arith.constant 32 : index
    %swap3A_423 = tpu.vector_load %arg8[%swap3A_421, %swap3A_422] {strides = array<i32>} : memref<1x256xf32, #tpu.memory_space<vmem>>, vector<1x16xf32>,
    %swap3A_424 = vector.shape_cast %swap3A_423 : vector<1x16xf32> to vector<16xf32>
    %swap3A_425 = vector.shape_cast %add3A_419 : vector<16xf32> to vector<1x16xf32>
    tpu.vector_store %arg8[%swap3A_421, %swap3A_422], %swap3A_425 {strides = array<i32>} : memref<1x256xf32, #tpu.memory_space<vmem>>, vector<1x16xf32>,
    %get3A_426 = arith.constant 0 : i32
    %get3A_427 = arith.index_cast %get3A_426 : i32 to index
    %get3A_428 = arith.constant 48 : index
    %get3A_429 = tpu.vector_load %arg7[%get3A_427, %get3A_428] {strides = array<i32>} : memref<16x256xf32, #tpu.memory_space<vmem>>, vector<1x16xf32>,
    %get3A_430 = vector.shape_cast %get3A_429 : vector<1x16xf32> to vector<16xf32>
    %mul3A_431 = arith.mulf %get3A_430, %select_n3A_381 : vector<16xf32>
    %add3A_432 = arith.addf %mul3A_431, %mul3A_386 : vector<16xf32>
    %swap3A_433 = arith.constant 0 : i32
    %swap3A_434 = arith.index_cast %swap3A_433 : i32 to index
    %swap3A_435 = arith.constant 48 : index
    %swap3A_436 = tpu.vector_load %arg8[%swap3A_434, %swap3A_435] {strides = array<i32>} : memref<1x256xf32, #tpu.memory_space<vmem>>, vector<1x16xf32>,
    %swap3A_437 = vector.shape_cast %swap3A_436 : vector<1x16xf32> to vector<16xf32>
    %swap3A_438 = vector.shape_cast %add3A_432 : vector<16xf32> to vector<1x16xf32>
    tpu.vector_store %arg8[%swap3A_434, %swap3A_435], %swap3A_438 {strides = array<i32>} : memref<1x256xf32, #tpu.memory_space<vmem>>, vector<1x16xf32>,
    %get3A_439 = arith.constant 0 : i32
    %get3A_440 = arith.index_cast %get3A_439 : i32 to index
    %get3A_441 = arith.constant 64 : index
    %get3A_442 = tpu.vector_load %arg7[%get3A_440, %get3A_441] {strides = array<i32>} : memref<16x256xf32, #tpu.memory_space<vmem>>, vector<1x16xf32>,
    %get3A_443 = vector.shape_cast %get3A_442 : vector<1x16xf32> to vector<16xf32>
    %mul3A_444 = arith.mulf %get3A_443, %select_n3A_381 : vector<16xf32>
    %add3A_445 = arith.addf %mul3A_444, %mul3A_386 : vector<16xf32>
    %swap3A_446 = arith.constant 0 : i32
    %swap3A_447 = arith.index_cast %swap3A_446 : i32 to index
    %swap3A_448 = arith.constant 64 : index
    %swap3A_449 = tpu.vector_load %arg8[%swap3A_447, %swap3A_448] {strides = array<i32>} : memref<1x256xf32, #tpu.memory_space<vmem>>, vector<1x16xf32>,
    %swap3A_450 = vector.shape_cast %swap3A_449 : vector<1x16xf32> to vector<16xf32>
    %swap3A_451 = vector.shape_cast %add3A_445 : vector<16xf32> to vector<1x16xf32>
    tpu.vector_store %arg8[%swap3A_447, %swap3A_448], %swap3A_451 {strides = array<i32>} : memref<1x256xf32, #tpu.memory_space<vmem>>, vector<1x16xf32>,
    %get3A_452 = arith.constant 0 : i32
    %get3A_453 = arith.index_cast %get3A_452 : i32 to index
    %get3A_454 = arith.constant 80 : index
    %get3A_455 = tpu.vector_load %arg7[%get3A_453, %get3A_454] {strides = array<i32>} : memref<16x256xf32, #tpu.memory_space<vmem>>, vector<1x16xf32>,
    %get3A_456 = vector.shape_cast %get3A_455 : vector<1x16xf32> to vector<16xf32>
    %mul3A_457 = arith.mulf %get3A_456, %select_n3A_381 : vector<16xf32>
    %add3A_458 = arith.addf %mul3A_457, %mul3A_386 : vector<16xf32>
    %swap3A_459 = arith.constant 0 : i32
    %swap3A_460 = arith.index_cast %swap3A_459 : i32 to index
    %swap3A_461 = arith.constant 80 : index
    %swap3A_462 = tpu.vector_load %arg8[%swap3A_460, %swap3A_461] {strides = array<i32>} : memref<1x256xf32, #tpu.memory_space<vmem>>, vector<1x16xf32>,
    %swap3A_463 = vector.shape_cast %swap3A_462 : vector<1x16xf32> to vector<16xf32>
    %swap3A_464 = vector.shape_cast %add3A_458 : vector<16xf32> to vector<1x16xf32>
    tpu.vector_store %arg8[%swap3A_460, %swap3A_461], %swap3A_464 {strides = array<i32>} : memref<1x256xf32, #tpu.memory_space<vmem>>, vector<1x16xf32>,
    %get3A_465 = arith.constant 0 : i32
    %get3A_466 = arith.index_cast %get3A_465 : i32 to index
    %get3A_467 = arith.constant 96 : index
    %get3A_468 = tpu.vector_load %arg7[%get3A_466, %get3A_467] {strides = array<i32>} : memref<16x256xf32, #tpu.memory_space<vmem>>, vector<1x16xf32>,
    %get3A_469 = vector.shape_cast %get3A_468 : vector<1x16xf32> to vector<16xf32>
    %mul3A_470 = arith.mulf %get3A_469, %select_n3A_381 : vector<16xf32>
    %add3A_471 = arith.addf %mul3A_470, %mul3A_386 : vector<16xf32>
    %swap3A_472 = arith.constant 0 : i32
    %swap3A_473 = arith.index_cast %swap3A_472 : i32 to index
    %swap3A_474 = arith.constant 96 : index
    %swap3A_475 = tpu.vector_load %arg8[%swap3A_473, %swap3A_474] {strides = array<i32>} : memref<1x256xf32, #tpu.memory_space<vmem>>, vector<1x16xf32>,
    %swap3A_476 = vector.shape_cast %swap3A_475 : vector<1x16xf32> to vector<16xf32>
    %swap3A_477 = vector.shape_cast %add3A_471 : vector<16xf32> to vector<1x16xf32>
    tpu.vector_store %arg8[%swap3A_473, %swap3A_474], %swap3A_477 {strides = array<i32>} : memref<1x256xf32, #tpu.memory_space<vmem>>, vector<1x16xf32>,
    %get3A_478 = arith.constant 0 : i32
    %get3A_479 = arith.index_cast %get3A_478 : i32 to index
    %get3A_480 = arith.constant 112 : index
    %get3A_481 = tpu.vector_load %arg7[%get3A_479, %get3A_480] {strides = array<i32>} : memref<16x256xf32, #tpu.memory_space<vmem>>, vector<1x16xf32>,
    %get3A_482 = vector.shape_cast %get3A_481 : vector<1x16xf32> to vector<16xf32>
    %mul3A_483 = arith.mulf %get3A_482, %select_n3A_381 : vector<16xf32>
    %add3A_484 = arith.addf %mul3A_483, %mul3A_386 : vector<16xf32>
    %swap3A_485 = arith.constant 0 : i32
    %swap3A_486 = arith.index_cast %swap3A_485 : i32 to index
    %swap3A_487 = arith.constant 112 : index
    %swap3A_488 = tpu.vector_load %arg8[%swap3A_486, %swap3A_487] {strides = array<i32>} : memref<1x256xf32, #tpu.memory_space<vmem>>, vector<1x16xf32>,
    %swap3A_489 = vector.shape_cast %swap3A_488 : vector<1x16xf32> to vector<16xf32>
    %swap3A_490 = vector.shape_cast %add3A_484 : vector<16xf32> to vector<1x16xf32>
    tpu.vector_store %arg8[%swap3A_486, %swap3A_487], %swap3A_490 {strides = array<i32>} : memref<1x256xf32, #tpu.memory_space<vmem>>, vector<1x16xf32>,
    %get3A_491 = arith.constant 0 : i32
    %get3A_492 = arith.index_cast %get3A_491 : i32 to index
    %get3A_493 = arith.constant 128 : index
    %get3A_494 = tpu.vector_load %arg7[%get3A_492, %get3A_493] {strides = array<i32>} : memref<16x256xf32, #tpu.memory_space<vmem>>, vector<1x16xf32>,
    %get3A_495 = vector.shape_cast %get3A_494 : vector<1x16xf32> to vector<16xf32>
    %mul3A_496 = arith.mulf %get3A_495, %select_n3A_381 : vector<16xf32>
    %add3A_497 = arith.addf %mul3A_496, %mul3A_386 : vector<16xf32>
    %swap3A_498 = arith.constant 0 : i32
    %swap3A_499 = arith.index_cast %swap3A_498 : i32 to index
    %swap3A_500 = arith.constant 128 : index
    %swap3A_501 = tpu.vector_load %arg8[%swap3A_499, %swap3A_500] {strides = array<i32>} : memref<1x256xf32, #tpu.memory_space<vmem>>, vector<1x16xf32>,
    %swap3A_502 = vector.shape_cast %swap3A_501 : vector<1x16xf32> to vector<16xf32>
    %swap3A_503 = vector.shape_cast %add3A_497 : vector<16xf32> to vector<1x16xf32>
    tpu.vector_store %arg8[%swap3A_499, %swap3A_500], %swap3A_503 {strides = array<i32>} : memref<1x256xf32, #tpu.memory_space<vmem>>, vector<1x16xf32>,
    %get3A_504 = arith.constant 0 : i32
    %get3A_505 = arith.index_cast %get3A_504 : i32 to index
    %get3A_506 = arith.constant 144 : index
    %get3A_507 = tpu.vector_load %arg7[%get3A_505, %get3A_506] {strides = array<i32>} : memref<16x256xf32, #tpu.memory_space<vmem>>, vector<1x16xf32>,
    %get3A_508 = vector.shape_cast %get3A_507 : vector<1x16xf32> to vector<16xf32>
    %mul3A_509 = arith.mulf %get3A_508, %select_n3A_381 : vector<16xf32>
    %add3A_510 = arith.addf %mul3A_509, %mul3A_386 : vector<16xf32>
    %swap3A_511 = arith.constant 0 : i32
    %swap3A_512 = arith.index_cast %swap3A_511 : i32 to index
    %swap3A_513 = arith.constant 144 : index
    %swap3A_514 = tpu.vector_load %arg8[%swap3A_512, %swap3A_513] {strides = array<i32>} : memref<1x256xf32, #tpu.memory_space<vmem>>, vector<1x16xf32>,
    %swap3A_515 = vector.shape_cast %swap3A_514 : vector<1x16xf32> to vector<16xf32>
    %swap3A_516 = vector.shape_cast %add3A_510 : vector<16xf32> to vector<1x16xf32>
    tpu.vector_store %arg8[%swap3A_512, %swap3A_513], %swap3A_516 {strides = array<i32>} : memref<1x256xf32, #tpu.memory_space<vmem>>, vector<1x16xf32>,
    %get3A_517 = arith.constant 0 : i32
    %get3A_518 = arith.index_cast %get3A_517 : i32 to index
    %get3A_519 = arith.constant 160 : index
    %get3A_520 = tpu.vector_load %arg7[%get3A_518, %get3A_519] {strides = array<i32>} : memref<16x256xf32, #tpu.memory_space<vmem>>, vector<1x16xf32>,
    %get3A_521 = vector.shape_cast %get3A_520 : vector<1x16xf32> to vector<16xf32>
    %mul3A_522 = arith.mulf %get3A_521, %select_n3A_381 : vector<16xf32>
    %add3A_523 = arith.addf %mul3A_522, %mul3A_386 : vector<16xf32>
    %swap3A_524 = arith.constant 0 : i32
    %swap3A_525 = arith.index_cast %swap3A_524 : i32 to index
    %swap3A_526 = arith.constant 160 : index
    %swap3A_527 = tpu.vector_load %arg8[%swap3A_525, %swap3A_526] {strides = array<i32>} : memref<1x256xf32, #tpu.memory_space<vmem>>, vector<1x16xf32>,
    %swap3A_528 = vector.shape_cast %swap3A_527 : vector<1x16xf32> to vector<16xf32>
    %swap3A_529 = vector.shape_cast %add3A_523 : vector<16xf32> to vector<1x16xf32>
    tpu.vector_store %arg8[%swap3A_525, %swap3A_526], %swap3A_529 {strides = array<i32>} : memref<1x256xf32, #tpu.memory_space<vmem>>, vector<1x16xf32>,
    %get3A_530 = arith.constant 0 : i32
    %get3A_531 = arith.index_cast %get3A_530 : i32 to index
    %get3A_532 = arith.constant 176 : index
    %get3A_533 = tpu.vector_load %arg7[%get3A_531, %get3A_532] {strides = array<i32>} : memref<16x256xf32, #tpu.memory_space<vmem>>, vector<1x16xf32>,
    %get3A_534 = vector.shape_cast %get3A_533 : vector<1x16xf32> to vector<16xf32>
    %mul3A_535 = arith.mulf %get3A_534, %select_n3A_381 : vector<16xf32>
    %add3A_536 = arith.addf %mul3A_535, %mul3A_386 : vector<16xf32>
    %swap3A_537 = arith.constant 0 : i32
    %swap3A_538 = arith.index_cast %swap3A_537 : i32 to index
    %swap3A_539 = arith.constant 176 : index
    %swap3A_540 = tpu.vector_load %arg8[%swap3A_538, %swap3A_539] {strides = array<i32>} : memref<1x256xf32, #tpu.memory_space<vmem>>, vector<1x16xf32>,
    %swap3A_541 = vector.shape_cast %swap3A_540 : vector<1x16xf32> to vector<16xf32>
    %swap3A_542 = vector.shape_cast %add3A_536 : vector<16xf32> to vector<1x16xf32>
    tpu.vector_store %arg8[%swap3A_538, %swap3A_539], %swap3A_542 {strides = array<i32>} : memref<1x256xf32, #tpu.memory_space<vmem>>, vector<1x16xf32>,
    %get3A_543 = arith.constant 0 : i32
    %get3A_544 = arith.index_cast %get3A_543 : i32 to index
    %get3A_545 = arith.constant 192 : index
    %get3A_546 = tpu.vector_load %arg7[%get3A_544, %get3A_545] {strides = array<i32>} : memref<16x256xf32, #tpu.memory_space<vmem>>, vector<1x16xf32>,
    %get3A_547 = vector.shape_cast %get3A_546 : vector<1x16xf32> to vector<16xf32>
    %mul3A_548 = arith.mulf %get3A_547, %select_n3A_381 : vector<16xf32>
    %add3A_549 = arith.addf %mul3A_548, %mul3A_386 : vector<16xf32>
    %swap3A_550 = arith.constant 0 : i32
    %swap3A_551 = arith.index_cast %swap3A_550 : i32 to index
    %swap3A_552 = arith.constant 192 : index
    %swap3A_553 = tpu.vector_load %arg8[%swap3A_551, %swap3A_552] {strides = array<i32>} : memref<1x256xf32, #tpu.memory_space<vmem>>, vector<1x16xf32>,
    %swap3A_554 = vector.shape_cast %swap3A_553 : vector<1x16xf32> to vector<16xf32>
    %swap3A_555 = vector.shape_cast %add3A_549 : vector<16xf32> to vector<1x16xf32>
    tpu.vector_store %arg8[%swap3A_551, %swap3A_552], %swap3A_555 {strides = array<i32>} : memref<1x256xf32, #tpu.memory_space<vmem>>, vector<1x16xf32>,
    %get3A_556 = arith.constant 0 : i32
    %get3A_557 = arith.index_cast %get3A_556 : i32 to index
    %get3A_558 = arith.constant 208 : index
    %get3A_559 = tpu.vector_load %arg7[%get3A_557, %get3A_558] {strides = array<i32>} : memref<16x256xf32, #tpu.memory_space<vmem>>, vector<1x16xf32>,
    %get3A_560 = vector.shape_cast %get3A_559 : vector<1x16xf32> to vector<16xf32>
    %mul3A_561 = arith.mulf %get3A_560, %select_n3A_381 : vector<16xf32>
    %add3A_562 = arith.addf %mul3A_561, %mul3A_386 : vector<16xf32>
    %swap3A_563 = arith.constant 0 : i32
    %swap3A_564 = arith.index_cast %swap3A_563 : i32 to index
    %swap3A_565 = arith.constant 208 : index
    %swap3A_566 = tpu.vector_load %arg8[%swap3A_564, %swap3A_565] {strides = array<i32>} : memref<1x256xf32, #tpu.memory_space<vmem>>, vector<1x16xf32>,
    %swap3A_567 = vector.shape_cast %swap3A_566 : vector<1x16xf32> to vector<16xf32>
    %swap3A_568 = vector.shape_cast %add3A_562 : vector<16xf32> to vector<1x16xf32>
    tpu.vector_store %arg8[%swap3A_564, %swap3A_565], %swap3A_568 {strides = array<i32>} : memref<1x256xf32, #tpu.memory_space<vmem>>, vector<1x16xf32>,
    %get3A_569 = arith.constant 0 : i32
    %get3A_570 = arith.index_cast %get3A_569 : i32 to index
    %get3A_571 = arith.constant 224 : index
    %get3A_572 = tpu.vector_load %arg7[%get3A_570, %get3A_571] {strides = array<i32>} : memref<16x256xf32, #tpu.memory_space<vmem>>, vector<1x16xf32>,
    %get3A_573 = vector.shape_cast %get3A_572 : vector<1x16xf32> to vector<16xf32>
    %mul3A_574 = arith.mulf %get3A_573, %select_n3A_381 : vector<16xf32>
    %add3A_575 = arith.addf %mul3A_574, %mul3A_386 : vector<16xf32>
    %swap3A_576 = arith.constant 0 : i32
    %swap3A_577 = arith.index_cast %swap3A_576 : i32 to index
    %swap3A_578 = arith.constant 224 : index
    %swap3A_579 = tpu.vector_load %arg8[%swap3A_577, %swap3A_578] {strides = array<i32>} : memref<1x256xf32, #tpu.memory_space<vmem>>, vector<1x16xf32>,
    %swap3A_580 = vector.shape_cast %swap3A_579 : vector<1x16xf32> to vector<16xf32>
    %swap3A_581 = vector.shape_cast %add3A_575 : vector<16xf32> to vector<1x16xf32>
    tpu.vector_store %arg8[%swap3A_577, %swap3A_578], %swap3A_581 {strides = array<i32>} : memref<1x256xf32, #tpu.memory_space<vmem>>, vector<1x16xf32>,
    %get3A_582 = arith.constant 0 : i32
    %get3A_583 = arith.index_cast %get3A_582 : i32 to index
    %get3A_584 = arith.constant 240 : index
    %get3A_585 = tpu.vector_load %arg7[%get3A_583, %get3A_584] {strides = array<i32>} : memref<16x256xf32, #tpu.memory_space<vmem>>, vector<1x16xf32>,
    %get3A_586 = vector.shape_cast %get3A_585 : vector<1x16xf32> to vector<16xf32>
    %mul3A_587 = arith.mulf %get3A_586, %select_n3A_381 : vector<16xf32>
    %add3A_588 = arith.addf %mul3A_587, %mul3A_386 : vector<16xf32>
    %swap3A_589 = arith.constant 0 : i32
    %swap3A_590 = arith.index_cast %swap3A_589 : i32 to index
    %swap3A_591 = arith.constant 240 : index
    %swap3A_592 = tpu.vector_load %arg8[%swap3A_590, %swap3A_591] {strides = array<i32>} : memref<1x256xf32, #tpu.memory_space<vmem>>, vector<1x16xf32>,
    %swap3A_593 = vector.shape_cast %swap3A_592 : vector<1x16xf32> to vector<16xf32>
    %swap3A_594 = vector.shape_cast %add3A_588 : vector<16xf32> to vector<1x16xf32>
    tpu.vector_store %arg8[%swap3A_590, %swap3A_591], %swap3A_594 {strides = array<i32>} : memref<1x256xf32, #tpu.memory_space<vmem>>, vector<1x16xf32>,
    "tpu.region"() ({
      %run_scoped3A = tpu.sem_alloc : memref<!tpu.dma_semaphore, #tpu.memory_space<semaphore_mem>>
      %dma_start3A_1203 = arith.constant 0 : i32
      %dma_start3A_1204 = tpu.memref_slice %arg4[%add3A_4, %dma_start3A_1203] : memref<64x256xf32, #tpu.memory_space<hbm>> -> memref<1x256xf32, #tpu.memory_space<hbm>>
      %dma_start3A_1205 = arith.constant 0 : i32
      %dma_start3A_1206 = tpu.memref_slice %arg4[%add3A_4, %dma_start3A_1205] : memref<64x256xf32, #tpu.memory_space<hbm>> -> memref<1x256xf32, #tpu.memory_space<hbm>>
      tpu.enqueue_dma source(%arg8 : memref<1x256xf32, #tpu.memory_space<vmem>>) target(%dma_start3A_1206 : memref<1x256xf32, #tpu.memory_space<hbm>>) target_semaphore(%run_scoped3A : memref<!tpu.dma_semaphore, #tpu.memory_space<semaphore_mem>>)
      %dma_wait3A_1207 = arith.constant 0 : i32
      %dma_wait3A_1208 = tpu.memref_slice %arg4[%add3A_4, %dma_wait3A_1207] : memref<64x256xf32, #tpu.memory_space<hbm>> -> memref<1x256xf32, #tpu.memory_space<hbm>>
      %dma_wait3A_1209 = arith.constant 0 : i32
      %dma_wait3A_1210 = tpu.memref_slice %arg4[%add3A_4, %dma_wait3A_1209] : memref<64x256xf32, #tpu.memory_space<hbm>> -> memref<1x256xf32, #tpu.memory_space<hbm>>
      tpu.wait_dma2 semaphore(%run_scoped3A : memref<!tpu.dma_semaphore, #tpu.memory_space<semaphore_mem>>) src(%arg8 : memref<1x256xf32, #tpu.memory_space<vmem>>) dst(%dma_wait3A_1210 : memref<1x256xf32, #tpu.memory_space<hbm>>)
      tpu.yield
    }) : () -> ()
    %mul3A_595 = arith.constant 2 : i32
    %mul3A_596 = arith.muli %add3A, %mul3A_595 : i32
    %add3A_597 = arith.constant 1 : i32
    %add3A_598 = arith.addi %mul3A_596, %add3A_597 : i32
    "tpu.region"() ({
      %run_scoped3A = tpu.sem_alloc : memref<!tpu.dma_semaphore, #tpu.memory_space<semaphore_mem>>
      %dma_start3A_1203 = arith.constant 0 : i32
      %dma_start3A_1204 = tpu.memref_slice %arg2[%add3A_598, %dma_start3A_1203] : memref<64x256xf32, #tpu.memory_space<hbm>> -> memref<1x256xf32, #tpu.memory_space<hbm>>
      %dma_start3A_1205 = arith.constant 0 : i32
      %dma_start3A_1206 = tpu.memref_slice %arg2[%add3A_598, %dma_start3A_1205] : memref<64x256xf32, #tpu.memory_space<hbm>> -> memref<1x256xf32, #tpu.memory_space<hbm>>
      tpu.enqueue_dma source(%dma_start3A_1206 : memref<1x256xf32, #tpu.memory_space<hbm>>) target(%arg6 : memref<1x256xf32, #tpu.memory_space<vmem>>) target_semaphore(%run_scoped3A : memref<!tpu.dma_semaphore, #tpu.memory_space<semaphore_mem>>)
      %dma_wait3A_1207 = arith.constant 0 : i32
      %dma_wait3A_1208 = tpu.memref_slice %arg2[%add3A_598, %dma_wait3A_1207] : memref<64x256xf32, #tpu.memory_space<hbm>> -> memref<1x256xf32, #tpu.memory_space<hbm>>
      %dma_wait3A_1209 = arith.constant 0 : i32
      %dma_wait3A_1210 = tpu.memref_slice %arg2[%add3A_598, %dma_wait3A_1209] : memref<64x256xf32, #tpu.memory_space<hbm>> -> memref<1x256xf32, #tpu.memory_space<hbm>>
      tpu.wait_dma2 semaphore(%run_scoped3A : memref<!tpu.dma_semaphore, #tpu.memory_space<semaphore_mem>>) src(%dma_wait3A_1210 : memref<1x256xf32, #tpu.memory_space<hbm>>) dst(%arg6 : memref<1x256xf32, #tpu.memory_space<vmem>>)
      tpu.yield
    }) : () -> ()
    %broadcast_in_dim3A_599 = arith.constant 0xFF800000 : f32
    %broadcast_in_dim3A_600 = vector.broadcast %broadcast_in_dim3A_599 : f32 to vector<16xf32>
    %get3A_601 = arith.constant 0 : i32
    %get3A_602 = arith.index_cast %get3A_601 : i32 to index
    %get3A_603 = arith.constant 0 : index
    %get3A_604 = tpu.vector_load %arg6[%get3A_602, %get3A_603] {strides = array<i32>} : memref<1x256xf32, #tpu.memory_space<vmem>>, vector<1x16xf32>,
    %get3A_605 = vector.shape_cast %get3A_604 : vector<1x16xf32> to vector<16xf32>
    %max3A_606 = arith.maximumf %broadcast_in_dim3A_600, %get3A_605 : vector<16xf32>
    %get3A_607 = arith.constant 0 : i32
    %get3A_608 = arith.index_cast %get3A_607 : i32 to index
    %get3A_609 = arith.constant 16 : index
    %get3A_610 = tpu.vector_load %arg6[%get3A_608, %get3A_609] {strides = array<i32>} : memref<1x256xf32, #tpu.memory_space<vmem>>, vector<1x16xf32>,
    %get3A_611 = vector.shape_cast %get3A_610 : vector<1x16xf32> to vector<16xf32>
    %max3A_612 = arith.maximumf %max3A_606, %get3A_611 : vector<16xf32>
    %get3A_613 = arith.constant 0 : i32
    %get3A_614 = arith.index_cast %get3A_613 : i32 to index
    %get3A_615 = arith.constant 32 : index
    %get3A_616 = tpu.vector_load %arg6[%get3A_614, %get3A_615] {strides = array<i32>} : memref<1x256xf32, #tpu.memory_space<vmem>>, vector<1x16xf32>,
    %get3A_617 = vector.shape_cast %get3A_616 : vector<1x16xf32> to vector<16xf32>
    %max3A_618 = arith.maximumf %max3A_612, %get3A_617 : vector<16xf32>
    %get3A_619 = arith.constant 0 : i32
    %get3A_620 = arith.index_cast %get3A_619 : i32 to index
    %get3A_621 = arith.constant 48 : index
    %get3A_622 = tpu.vector_load %arg6[%get3A_620, %get3A_621] {strides = array<i32>} : memref<1x256xf32, #tpu.memory_space<vmem>>, vector<1x16xf32>,
    %get3A_623 = vector.shape_cast %get3A_622 : vector<1x16xf32> to vector<16xf32>
    %max3A_624 = arith.maximumf %max3A_618, %get3A_623 : vector<16xf32>
    %get3A_625 = arith.constant 0 : i32
    %get3A_626 = arith.index_cast %get3A_625 : i32 to index
    %get3A_627 = arith.constant 64 : index
    %get3A_628 = tpu.vector_load %arg6[%get3A_626, %get3A_627] {strides = array<i32>} : memref<1x256xf32, #tpu.memory_space<vmem>>, vector<1x16xf32>,
    %get3A_629 = vector.shape_cast %get3A_628 : vector<1x16xf32> to vector<16xf32>
    %max3A_630 = arith.maximumf %max3A_624, %get3A_629 : vector<16xf32>
    %get3A_631 = arith.constant 0 : i32
    %get3A_632 = arith.index_cast %get3A_631 : i32 to index
    %get3A_633 = arith.constant 80 : index
    %get3A_634 = tpu.vector_load %arg6[%get3A_632, %get3A_633] {strides = array<i32>} : memref<1x256xf32, #tpu.memory_space<vmem>>, vector<1x16xf32>,
    %get3A_635 = vector.shape_cast %get3A_634 : vector<1x16xf32> to vector<16xf32>
    %max3A_636 = arith.maximumf %max3A_630, %get3A_635 : vector<16xf32>
    %get3A_637 = arith.constant 0 : i32
    %get3A_638 = arith.index_cast %get3A_637 : i32 to index
    %get3A_639 = arith.constant 96 : index
    %get3A_640 = tpu.vector_load %arg6[%get3A_638, %get3A_639] {strides = array<i32>} : memref<1x256xf32, #tpu.memory_space<vmem>>, vector<1x16xf32>,
    %get3A_641 = vector.shape_cast %get3A_640 : vector<1x16xf32> to vector<16xf32>
    %max3A_642 = arith.maximumf %max3A_636, %get3A_641 : vector<16xf32>
    %get3A_643 = arith.constant 0 : i32
    %get3A_644 = arith.index_cast %get3A_643 : i32 to index
    %get3A_645 = arith.constant 112 : index
    %get3A_646 = tpu.vector_load %arg6[%get3A_644, %get3A_645] {strides = array<i32>} : memref<1x256xf32, #tpu.memory_space<vmem>>, vector<1x16xf32>,
    %get3A_647 = vector.shape_cast %get3A_646 : vector<1x16xf32> to vector<16xf32>
    %max3A_648 = arith.maximumf %max3A_642, %get3A_647 : vector<16xf32>
    %get3A_649 = arith.constant 0 : i32
    %get3A_650 = arith.index_cast %get3A_649 : i32 to index
    %get3A_651 = arith.constant 128 : index
    %get3A_652 = tpu.vector_load %arg6[%get3A_650, %get3A_651] {strides = array<i32>} : memref<1x256xf32, #tpu.memory_space<vmem>>, vector<1x16xf32>,
    %get3A_653 = vector.shape_cast %get3A_652 : vector<1x16xf32> to vector<16xf32>
    %max3A_654 = arith.maximumf %max3A_648, %get3A_653 : vector<16xf32>
    %get3A_655 = arith.constant 0 : i32
    %get3A_656 = arith.index_cast %get3A_655 : i32 to index
    %get3A_657 = arith.constant 144 : index
    %get3A_658 = tpu.vector_load %arg6[%get3A_656, %get3A_657] {strides = array<i32>} : memref<1x256xf32, #tpu.memory_space<vmem>>, vector<1x16xf32>,
    %get3A_659 = vector.shape_cast %get3A_658 : vector<1x16xf32> to vector<16xf32>
    %max3A_660 = arith.maximumf %max3A_654, %get3A_659 : vector<16xf32>
    %get3A_661 = arith.constant 0 : i32
    %get3A_662 = arith.index_cast %get3A_661 : i32 to index
    %get3A_663 = arith.constant 160 : index
    %get3A_664 = tpu.vector_load %arg6[%get3A_662, %get3A_663] {strides = array<i32>} : memref<1x256xf32, #tpu.memory_space<vmem>>, vector<1x16xf32>,
    %get3A_665 = vector.shape_cast %get3A_664 : vector<1x16xf32> to vector<16xf32>
    %max3A_666 = arith.maximumf %max3A_660, %get3A_665 : vector<16xf32>
    %get3A_667 = arith.constant 0 : i32
    %get3A_668 = arith.index_cast %get3A_667 : i32 to index
    %get3A_669 = arith.constant 176 : index
    %get3A_670 = tpu.vector_load %arg6[%get3A_668, %get3A_669] {strides = array<i32>} : memref<1x256xf32, #tpu.memory_space<vmem>>, vector<1x16xf32>,
    %get3A_671 = vector.shape_cast %get3A_670 : vector<1x16xf32> to vector<16xf32>
    %max3A_672 = arith.maximumf %max3A_666, %get3A_671 : vector<16xf32>
    %get3A_673 = arith.constant 0 : i32
    %get3A_674 = arith.index_cast %get3A_673 : i32 to index
    %get3A_675 = arith.constant 192 : index
    %get3A_676 = tpu.vector_load %arg6[%get3A_674, %get3A_675] {strides = array<i32>} : memref<1x256xf32, #tpu.memory_space<vmem>>, vector<1x16xf32>,
    %get3A_677 = vector.shape_cast %get3A_676 : vector<1x16xf32> to vector<16xf32>
    %max3A_678 = arith.maximumf %max3A_672, %get3A_677 : vector<16xf32>
    %get3A_679 = arith.constant 0 : i32
    %get3A_680 = arith.index_cast %get3A_679 : i32 to index
    %get3A_681 = arith.constant 208 : index
    %get3A_682 = tpu.vector_load %arg6[%get3A_680, %get3A_681] {strides = array<i32>} : memref<1x256xf32, #tpu.memory_space<vmem>>, vector<1x16xf32>,
    %get3A_683 = vector.shape_cast %get3A_682 : vector<1x16xf32> to vector<16xf32>
    %max3A_684 = arith.maximumf %max3A_678, %get3A_683 : vector<16xf32>
    %get3A_685 = arith.constant 0 : i32
    %get3A_686 = arith.index_cast %get3A_685 : i32 to index
    %get3A_687 = arith.constant 224 : index
    %get3A_688 = tpu.vector_load %arg6[%get3A_686, %get3A_687] {strides = array<i32>} : memref<1x256xf32, #tpu.memory_space<vmem>>, vector<1x16xf32>,
    %get3A_689 = vector.shape_cast %get3A_688 : vector<1x16xf32> to vector<16xf32>
    %max3A_690 = arith.maximumf %max3A_684, %get3A_689 : vector<16xf32>
    %get3A_691 = arith.constant 0 : i32
    %get3A_692 = arith.index_cast %get3A_691 : i32 to index
    %get3A_693 = arith.constant 240 : index
    %get3A_694 = tpu.vector_load %arg6[%get3A_692, %get3A_693] {strides = array<i32>} : memref<1x256xf32, #tpu.memory_space<vmem>>, vector<1x16xf32>,
    %get3A_695 = vector.shape_cast %get3A_694 : vector<1x16xf32> to vector<16xf32>
    %max3A_696 = arith.maximumf %max3A_690, %get3A_695 : vector<16xf32>
    %iota3A_697 = tpu.iota {dimensions = array<i32: 0>} : vector<16xi32>
    %xor3A_698 = arith.constant 1 : i32
    %xor3A_699 = vector.broadcast %xor3A_698 : i32 to vector<16xi32>
    %xor3A_700 = arith.xori %iota3A_697, %xor3A_699 : vector<16xi32>
    %reshape3A_701 = vector.shape_cast %xor3A_700 : vector<16xi32> to vector<16x1xi32>
    %gather3A_702 = vector.shape_cast %reshape3A_701 : vector<16x1xi32> to vector<16xi32>
    %gather3A_703 = tpu.dynamic_gather %max3A_696[%gather3A_702] in [0] : vector<16xf32>, vector<16xi32> -> vector<16xf32>
    %max3A_704 = arith.maximumf %max3A_696, %gather3A_703 : vector<16xf32>
    %xor3A_705 = arith.constant 2 : i32
    %xor3A_706 = vector.broadcast %xor3A_705 : i32 to vector<16xi32>
    %xor3A_707 = arith.xori %iota3A_697, %xor3A_706 : vector<16xi32>
    %reshape3A_708 = vector.shape_cast %xor3A_707 : vector<16xi32> to vector<16x1xi32>
    %gather3A_709 = vector.shape_cast %reshape3A_708 : vector<16x1xi32> to vector<16xi32>
    %gather3A_710 = tpu.dynamic_gather %max3A_704[%gather3A_709] in [0] : vector<16xf32>, vector<16xi32> -> vector<16xf32>
    %max3A_711 = arith.maximumf %max3A_704, %gather3A_710 : vector<16xf32>
    %xor3A_712 = arith.constant 4 : i32
    %xor3A_713 = vector.broadcast %xor3A_712 : i32 to vector<16xi32>
    %xor3A_714 = arith.xori %iota3A_697, %xor3A_713 : vector<16xi32>
    %reshape3A_715 = vector.shape_cast %xor3A_714 : vector<16xi32> to vector<16x1xi32>
    %gather3A_716 = vector.shape_cast %reshape3A_715 : vector<16x1xi32> to vector<16xi32>
    %gather3A_717 = tpu.dynamic_gather %max3A_711[%gather3A_716] in [0] : vector<16xf32>, vector<16xi32> -> vector<16xf32>
    %max3A_718 = arith.maximumf %max3A_711, %gather3A_717 : vector<16xf32>
    %xor3A_719 = arith.constant 8 : i32
    %xor3A_720 = vector.broadcast %xor3A_719 : i32 to vector<16xi32>
    %xor3A_721 = arith.xori %iota3A_697, %xor3A_720 : vector<16xi32>
    %reshape3A_722 = vector.shape_cast %xor3A_721 : vector<16xi32> to vector<16x1xi32>
    %gather3A_723 = vector.shape_cast %reshape3A_722 : vector<16x1xi32> to vector<16xi32>
    %gather3A_724 = tpu.dynamic_gather %max3A_718[%gather3A_723] in [0] : vector<16xf32>, vector<16xi32> -> vector<16xf32>
    %max3A_725 = arith.maximumf %max3A_718, %gather3A_724 : vector<16xf32>
    %broadcast_in_dim3A_726 = arith.constant 256 : i32
    %broadcast_in_dim3A_727 = vector.broadcast %broadcast_in_dim3A_726 : i32 to vector<16xi32>
    %get3A_728 = arith.constant 0 : i32
    %get3A_729 = arith.index_cast %get3A_728 : i32 to index
    %get3A_730 = arith.constant 0 : index
    %get3A_731 = tpu.vector_load %arg6[%get3A_729, %get3A_730] {strides = array<i32>} : memref<1x256xf32, #tpu.memory_space<vmem>>, vector<1x16xf32>,
    %get3A_732 = vector.shape_cast %get3A_731 : vector<1x16xf32> to vector<16xf32>
    %eq3A_733 = arith.cmpf oeq, %get3A_732, %max3A_725 : vector<16xf32>
    %add3A_734 = arith.constant 0 : i32
    %add3A_735 = vector.broadcast %add3A_734 : i32 to vector<16xi32>
    %add3A_736 = arith.addi %iota3A, %add3A_735 : vector<16xi32>
    %jit3A_737 = arith.constant 256 : i32
    %broadcast_in_dim3A_738 = vector.broadcast %jit3A_737 : i32 to vector<16xi32>
    %select_n3A_739 = arith.select %eq3A_733, %add3A_736, %broadcast_in_dim3A_738 : vector<16xi1>, vector<16xi32>
    %min3A_740 = arith.minsi %broadcast_in_dim3A_727, %select_n3A_739 : vector<16xi32>
    %get3A_741 = arith.constant 0 : i32
    %get3A_742 = arith.index_cast %get3A_741 : i32 to index
    %get3A_743 = arith.constant 16 : index
    %get3A_744 = tpu.vector_load %arg6[%get3A_742, %get3A_743] {strides = array<i32>} : memref<1x256xf32, #tpu.memory_space<vmem>>, vector<1x16xf32>,
    %get3A_745 = vector.shape_cast %get3A_744 : vector<1x16xf32> to vector<16xf32>
    %eq3A_746 = arith.cmpf oeq, %get3A_745, %max3A_725 : vector<16xf32>
    %add3A_747 = arith.constant 16 : i32
    %add3A_748 = vector.broadcast %add3A_747 : i32 to vector<16xi32>
    %add3A_749 = arith.addi %iota3A, %add3A_748 : vector<16xi32>
    %jit3A_750 = arith.constant 256 : i32
    %broadcast_in_dim3A_751 = vector.broadcast %jit3A_750 : i32 to vector<16xi32>
    %select_n3A_752 = arith.select %eq3A_746, %add3A_749, %broadcast_in_dim3A_751 : vector<16xi1>, vector<16xi32>
    %min3A_753 = arith.minsi %min3A_740, %select_n3A_752 : vector<16xi32>
    %get3A_754 = arith.constant 0 : i32
    %get3A_755 = arith.index_cast %get3A_754 : i32 to index
    %get3A_756 = arith.constant 32 : index
    %get3A_757 = tpu.vector_load %arg6[%get3A_755, %get3A_756] {strides = array<i32>} : memref<1x256xf32, #tpu.memory_space<vmem>>, vector<1x16xf32>,
    %get3A_758 = vector.shape_cast %get3A_757 : vector<1x16xf32> to vector<16xf32>
    %eq3A_759 = arith.cmpf oeq, %get3A_758, %max3A_725 : vector<16xf32>
    %add3A_760 = arith.constant 32 : i32
    %add3A_761 = vector.broadcast %add3A_760 : i32 to vector<16xi32>
    %add3A_762 = arith.addi %iota3A, %add3A_761 : vector<16xi32>
    %jit3A_763 = arith.constant 256 : i32
    %broadcast_in_dim3A_764 = vector.broadcast %jit3A_763 : i32 to vector<16xi32>
    %select_n3A_765 = arith.select %eq3A_759, %add3A_762, %broadcast_in_dim3A_764 : vector<16xi1>, vector<16xi32>
    %min3A_766 = arith.minsi %min3A_753, %select_n3A_765 : vector<16xi32>
    %get3A_767 = arith.constant 0 : i32
    %get3A_768 = arith.index_cast %get3A_767 : i32 to index
    %get3A_769 = arith.constant 48 : index
    %get3A_770 = tpu.vector_load %arg6[%get3A_768, %get3A_769] {strides = array<i32>} : memref<1x256xf32, #tpu.memory_space<vmem>>, vector<1x16xf32>,
    %get3A_771 = vector.shape_cast %get3A_770 : vector<1x16xf32> to vector<16xf32>
    %eq3A_772 = arith.cmpf oeq, %get3A_771, %max3A_725 : vector<16xf32>
    %add3A_773 = arith.constant 48 : i32
    %add3A_774 = vector.broadcast %add3A_773 : i32 to vector<16xi32>
    %add3A_775 = arith.addi %iota3A, %add3A_774 : vector<16xi32>
    %jit3A_776 = arith.constant 256 : i32
    %broadcast_in_dim3A_777 = vector.broadcast %jit3A_776 : i32 to vector<16xi32>
    %select_n3A_778 = arith.select %eq3A_772, %add3A_775, %broadcast_in_dim3A_777 : vector<16xi1>, vector<16xi32>
    %min3A_779 = arith.minsi %min3A_766, %select_n3A_778 : vector<16xi32>
    %get3A_780 = arith.constant 0 : i32
    %get3A_781 = arith.index_cast %get3A_780 : i32 to index
    %get3A_782 = arith.constant 64 : index
    %get3A_783 = tpu.vector_load %arg6[%get3A_781, %get3A_782] {strides = array<i32>} : memref<1x256xf32, #tpu.memory_space<vmem>>, vector<1x16xf32>,
    %get3A_784 = vector.shape_cast %get3A_783 : vector<1x16xf32> to vector<16xf32>
    %eq3A_785 = arith.cmpf oeq, %get3A_784, %max3A_725 : vector<16xf32>
    %add3A_786 = arith.constant 64 : i32
    %add3A_787 = vector.broadcast %add3A_786 : i32 to vector<16xi32>
    %add3A_788 = arith.addi %iota3A, %add3A_787 : vector<16xi32>
    %jit3A_789 = arith.constant 256 : i32
    %broadcast_in_dim3A_790 = vector.broadcast %jit3A_789 : i32 to vector<16xi32>
    %select_n3A_791 = arith.select %eq3A_785, %add3A_788, %broadcast_in_dim3A_790 : vector<16xi1>, vector<16xi32>
    %min3A_792 = arith.minsi %min3A_779, %select_n3A_791 : vector<16xi32>
    %get3A_793 = arith.constant 0 : i32
    %get3A_794 = arith.index_cast %get3A_793 : i32 to index
    %get3A_795 = arith.constant 80 : index
    %get3A_796 = tpu.vector_load %arg6[%get3A_794, %get3A_795] {strides = array<i32>} : memref<1x256xf32, #tpu.memory_space<vmem>>, vector<1x16xf32>,
    %get3A_797 = vector.shape_cast %get3A_796 : vector<1x16xf32> to vector<16xf32>
    %eq3A_798 = arith.cmpf oeq, %get3A_797, %max3A_725 : vector<16xf32>
    %add3A_799 = arith.constant 80 : i32
    %add3A_800 = vector.broadcast %add3A_799 : i32 to vector<16xi32>
    %add3A_801 = arith.addi %iota3A, %add3A_800 : vector<16xi32>
    %jit3A_802 = arith.constant 256 : i32
    %broadcast_in_dim3A_803 = vector.broadcast %jit3A_802 : i32 to vector<16xi32>
    %select_n3A_804 = arith.select %eq3A_798, %add3A_801, %broadcast_in_dim3A_803 : vector<16xi1>, vector<16xi32>
    %min3A_805 = arith.minsi %min3A_792, %select_n3A_804 : vector<16xi32>
    %get3A_806 = arith.constant 0 : i32
    %get3A_807 = arith.index_cast %get3A_806 : i32 to index
    %get3A_808 = arith.constant 96 : index
    %get3A_809 = tpu.vector_load %arg6[%get3A_807, %get3A_808] {strides = array<i32>} : memref<1x256xf32, #tpu.memory_space<vmem>>, vector<1x16xf32>,
    %get3A_810 = vector.shape_cast %get3A_809 : vector<1x16xf32> to vector<16xf32>
    %eq3A_811 = arith.cmpf oeq, %get3A_810, %max3A_725 : vector<16xf32>
    %add3A_812 = arith.constant 96 : i32
    %add3A_813 = vector.broadcast %add3A_812 : i32 to vector<16xi32>
    %add3A_814 = arith.addi %iota3A, %add3A_813 : vector<16xi32>
    %jit3A_815 = arith.constant 256 : i32
    %broadcast_in_dim3A_816 = vector.broadcast %jit3A_815 : i32 to vector<16xi32>
    %select_n3A_817 = arith.select %eq3A_811, %add3A_814, %broadcast_in_dim3A_816 : vector<16xi1>, vector<16xi32>
    %min3A_818 = arith.minsi %min3A_805, %select_n3A_817 : vector<16xi32>
    %get3A_819 = arith.constant 0 : i32
    %get3A_820 = arith.index_cast %get3A_819 : i32 to index
    %get3A_821 = arith.constant 112 : index
    %get3A_822 = tpu.vector_load %arg6[%get3A_820, %get3A_821] {strides = array<i32>} : memref<1x256xf32, #tpu.memory_space<vmem>>, vector<1x16xf32>,
    %get3A_823 = vector.shape_cast %get3A_822 : vector<1x16xf32> to vector<16xf32>
    %eq3A_824 = arith.cmpf oeq, %get3A_823, %max3A_725 : vector<16xf32>
    %add3A_825 = arith.constant 112 : i32
    %add3A_826 = vector.broadcast %add3A_825 : i32 to vector<16xi32>
    %add3A_827 = arith.addi %iota3A, %add3A_826 : vector<16xi32>
    %jit3A_828 = arith.constant 256 : i32
    %broadcast_in_dim3A_829 = vector.broadcast %jit3A_828 : i32 to vector<16xi32>
    %select_n3A_830 = arith.select %eq3A_824, %add3A_827, %broadcast_in_dim3A_829 : vector<16xi1>, vector<16xi32>
    %min3A_831 = arith.minsi %min3A_818, %select_n3A_830 : vector<16xi32>
    %get3A_832 = arith.constant 0 : i32
    %get3A_833 = arith.index_cast %get3A_832 : i32 to index
    %get3A_834 = arith.constant 128 : index
    %get3A_835 = tpu.vector_load %arg6[%get3A_833, %get3A_834] {strides = array<i32>} : memref<1x256xf32, #tpu.memory_space<vmem>>, vector<1x16xf32>,
    %get3A_836 = vector.shape_cast %get3A_835 : vector<1x16xf32> to vector<16xf32>
    %eq3A_837 = arith.cmpf oeq, %get3A_836, %max3A_725 : vector<16xf32>
    %add3A_838 = arith.constant 128 : i32
    %add3A_839 = vector.broadcast %add3A_838 : i32 to vector<16xi32>
    %add3A_840 = arith.addi %iota3A, %add3A_839 : vector<16xi32>
    %jit3A_841 = arith.constant 256 : i32
    %broadcast_in_dim3A_842 = vector.broadcast %jit3A_841 : i32 to vector<16xi32>
    %select_n3A_843 = arith.select %eq3A_837, %add3A_840, %broadcast_in_dim3A_842 : vector<16xi1>, vector<16xi32>
    %min3A_844 = arith.minsi %min3A_831, %select_n3A_843 : vector<16xi32>
    %get3A_845 = arith.constant 0 : i32
    %get3A_846 = arith.index_cast %get3A_845 : i32 to index
    %get3A_847 = arith.constant 144 : index
    %get3A_848 = tpu.vector_load %arg6[%get3A_846, %get3A_847] {strides = array<i32>} : memref<1x256xf32, #tpu.memory_space<vmem>>, vector<1x16xf32>,
    %get3A_849 = vector.shape_cast %get3A_848 : vector<1x16xf32> to vector<16xf32>
    %eq3A_850 = arith.cmpf oeq, %get3A_849, %max3A_725 : vector<16xf32>
    %add3A_851 = arith.constant 144 : i32
    %add3A_852 = vector.broadcast %add3A_851 : i32 to vector<16xi32>
    %add3A_853 = arith.addi %iota3A, %add3A_852 : vector<16xi32>
    %jit3A_854 = arith.constant 256 : i32
    %broadcast_in_dim3A_855 = vector.broadcast %jit3A_854 : i32 to vector<16xi32>
    %select_n3A_856 = arith.select %eq3A_850, %add3A_853, %broadcast_in_dim3A_855 : vector<16xi1>, vector<16xi32>
    %min3A_857 = arith.minsi %min3A_844, %select_n3A_856 : vector<16xi32>
    %get3A_858 = arith.constant 0 : i32
    %get3A_859 = arith.index_cast %get3A_858 : i32 to index
    %get3A_860 = arith.constant 160 : index
    %get3A_861 = tpu.vector_load %arg6[%get3A_859, %get3A_860] {strides = array<i32>} : memref<1x256xf32, #tpu.memory_space<vmem>>, vector<1x16xf32>,
    %get3A_862 = vector.shape_cast %get3A_861 : vector<1x16xf32> to vector<16xf32>
    %eq3A_863 = arith.cmpf oeq, %get3A_862, %max3A_725 : vector<16xf32>
    %add3A_864 = arith.constant 160 : i32
    %add3A_865 = vector.broadcast %add3A_864 : i32 to vector<16xi32>
    %add3A_866 = arith.addi %iota3A, %add3A_865 : vector<16xi32>
    %jit3A_867 = arith.constant 256 : i32
    %broadcast_in_dim3A_868 = vector.broadcast %jit3A_867 : i32 to vector<16xi32>
    %select_n3A_869 = arith.select %eq3A_863, %add3A_866, %broadcast_in_dim3A_868 : vector<16xi1>, vector<16xi32>
    %min3A_870 = arith.minsi %min3A_857, %select_n3A_869 : vector<16xi32>
    %get3A_871 = arith.constant 0 : i32
    %get3A_872 = arith.index_cast %get3A_871 : i32 to index
    %get3A_873 = arith.constant 176 : index
    %get3A_874 = tpu.vector_load %arg6[%get3A_872, %get3A_873] {strides = array<i32>} : memref<1x256xf32, #tpu.memory_space<vmem>>, vector<1x16xf32>,
    %get3A_875 = vector.shape_cast %get3A_874 : vector<1x16xf32> to vector<16xf32>
    %eq3A_876 = arith.cmpf oeq, %get3A_875, %max3A_725 : vector<16xf32>
    %add3A_877 = arith.constant 176 : i32
    %add3A_878 = vector.broadcast %add3A_877 : i32 to vector<16xi32>
    %add3A_879 = arith.addi %iota3A, %add3A_878 : vector<16xi32>
    %jit3A_880 = arith.constant 256 : i32
    %broadcast_in_dim3A_881 = vector.broadcast %jit3A_880 : i32 to vector<16xi32>
    %select_n3A_882 = arith.select %eq3A_876, %add3A_879, %broadcast_in_dim3A_881 : vector<16xi1>, vector<16xi32>
    %min3A_883 = arith.minsi %min3A_870, %select_n3A_882 : vector<16xi32>
    %get3A_884 = arith.constant 0 : i32
    %get3A_885 = arith.index_cast %get3A_884 : i32 to index
    %get3A_886 = arith.constant 192 : index
    %get3A_887 = tpu.vector_load %arg6[%get3A_885, %get3A_886] {strides = array<i32>} : memref<1x256xf32, #tpu.memory_space<vmem>>, vector<1x16xf32>,
    %get3A_888 = vector.shape_cast %get3A_887 : vector<1x16xf32> to vector<16xf32>
    %eq3A_889 = arith.cmpf oeq, %get3A_888, %max3A_725 : vector<16xf32>
    %add3A_890 = arith.constant 192 : i32
    %add3A_891 = vector.broadcast %add3A_890 : i32 to vector<16xi32>
    %add3A_892 = arith.addi %iota3A, %add3A_891 : vector<16xi32>
    %jit3A_893 = arith.constant 256 : i32
    %broadcast_in_dim3A_894 = vector.broadcast %jit3A_893 : i32 to vector<16xi32>
    %select_n3A_895 = arith.select %eq3A_889, %add3A_892, %broadcast_in_dim3A_894 : vector<16xi1>, vector<16xi32>
    %min3A_896 = arith.minsi %min3A_883, %select_n3A_895 : vector<16xi32>
    %get3A_897 = arith.constant 0 : i32
    %get3A_898 = arith.index_cast %get3A_897 : i32 to index
    %get3A_899 = arith.constant 208 : index
    %get3A_900 = tpu.vector_load %arg6[%get3A_898, %get3A_899] {strides = array<i32>} : memref<1x256xf32, #tpu.memory_space<vmem>>, vector<1x16xf32>,
    %get3A_901 = vector.shape_cast %get3A_900 : vector<1x16xf32> to vector<16xf32>
    %eq3A_902 = arith.cmpf oeq, %get3A_901, %max3A_725 : vector<16xf32>
    %add3A_903 = arith.constant 208 : i32
    %add3A_904 = vector.broadcast %add3A_903 : i32 to vector<16xi32>
    %add3A_905 = arith.addi %iota3A, %add3A_904 : vector<16xi32>
    %jit3A_906 = arith.constant 256 : i32
    %broadcast_in_dim3A_907 = vector.broadcast %jit3A_906 : i32 to vector<16xi32>
    %select_n3A_908 = arith.select %eq3A_902, %add3A_905, %broadcast_in_dim3A_907 : vector<16xi1>, vector<16xi32>
    %min3A_909 = arith.minsi %min3A_896, %select_n3A_908 : vector<16xi32>
    %get3A_910 = arith.constant 0 : i32
    %get3A_911 = arith.index_cast %get3A_910 : i32 to index
    %get3A_912 = arith.constant 224 : index
    %get3A_913 = tpu.vector_load %arg6[%get3A_911, %get3A_912] {strides = array<i32>} : memref<1x256xf32, #tpu.memory_space<vmem>>, vector<1x16xf32>,
    %get3A_914 = vector.shape_cast %get3A_913 : vector<1x16xf32> to vector<16xf32>
    %eq3A_915 = arith.cmpf oeq, %get3A_914, %max3A_725 : vector<16xf32>
    %add3A_916 = arith.constant 224 : i32
    %add3A_917 = vector.broadcast %add3A_916 : i32 to vector<16xi32>
    %add3A_918 = arith.addi %iota3A, %add3A_917 : vector<16xi32>
    %jit3A_919 = arith.constant 256 : i32
    %broadcast_in_dim3A_920 = vector.broadcast %jit3A_919 : i32 to vector<16xi32>
    %select_n3A_921 = arith.select %eq3A_915, %add3A_918, %broadcast_in_dim3A_920 : vector<16xi1>, vector<16xi32>
    %min3A_922 = arith.minsi %min3A_909, %select_n3A_921 : vector<16xi32>
    %get3A_923 = arith.constant 0 : i32
    %get3A_924 = arith.index_cast %get3A_923 : i32 to index
    %get3A_925 = arith.constant 240 : index
    %get3A_926 = tpu.vector_load %arg6[%get3A_924, %get3A_925] {strides = array<i32>} : memref<1x256xf32, #tpu.memory_space<vmem>>, vector<1x16xf32>,
    %get3A_927 = vector.shape_cast %get3A_926 : vector<1x16xf32> to vector<16xf32>
    %eq3A_928 = arith.cmpf oeq, %get3A_927, %max3A_725 : vector<16xf32>
    %add3A_929 = arith.constant 240 : i32
    %add3A_930 = vector.broadcast %add3A_929 : i32 to vector<16xi32>
    %add3A_931 = arith.addi %iota3A, %add3A_930 : vector<16xi32>
    %jit3A_932 = arith.constant 256 : i32
    %broadcast_in_dim3A_933 = vector.broadcast %jit3A_932 : i32 to vector<16xi32>
    %select_n3A_934 = arith.select %eq3A_928, %add3A_931, %broadcast_in_dim3A_933 : vector<16xi1>, vector<16xi32>
    %min3A_935 = arith.minsi %min3A_922, %select_n3A_934 : vector<16xi32>
    %iota3A_936 = tpu.iota {dimensions = array<i32: 0>} : vector<16xi32>
    %xor3A_937 = arith.constant 1 : i32
    %xor3A_938 = vector.broadcast %xor3A_937 : i32 to vector<16xi32>
    %xor3A_939 = arith.xori %iota3A_936, %xor3A_938 : vector<16xi32>
    %reshape3A_940 = vector.shape_cast %xor3A_939 : vector<16xi32> to vector<16x1xi32>
    %gather3A_941 = vector.shape_cast %reshape3A_940 : vector<16x1xi32> to vector<16xi32>
    %gather3A_942 = tpu.dynamic_gather %min3A_935[%gather3A_941] in [0] : vector<16xi32>, vector<16xi32> -> vector<16xi32>
    %min3A_943 = arith.minsi %min3A_935, %gather3A_942 : vector<16xi32>
    %xor3A_944 = arith.constant 2 : i32
    %xor3A_945 = vector.broadcast %xor3A_944 : i32 to vector<16xi32>
    %xor3A_946 = arith.xori %iota3A_936, %xor3A_945 : vector<16xi32>
    %reshape3A_947 = vector.shape_cast %xor3A_946 : vector<16xi32> to vector<16x1xi32>
    %gather3A_948 = vector.shape_cast %reshape3A_947 : vector<16x1xi32> to vector<16xi32>
    %gather3A_949 = tpu.dynamic_gather %min3A_943[%gather3A_948] in [0] : vector<16xi32>, vector<16xi32> -> vector<16xi32>
    %min3A_950 = arith.minsi %min3A_943, %gather3A_949 : vector<16xi32>
    %xor3A_951 = arith.constant 4 : i32
    %xor3A_952 = vector.broadcast %xor3A_951 : i32 to vector<16xi32>
    %xor3A_953 = arith.xori %iota3A_936, %xor3A_952 : vector<16xi32>
    %reshape3A_954 = vector.shape_cast %xor3A_953 : vector<16xi32> to vector<16x1xi32>
    %gather3A_955 = vector.shape_cast %reshape3A_954 : vector<16x1xi32> to vector<16xi32>
    %gather3A_956 = tpu.dynamic_gather %min3A_950[%gather3A_955] in [0] : vector<16xi32>, vector<16xi32> -> vector<16xi32>
    %min3A_957 = arith.minsi %min3A_950, %gather3A_956 : vector<16xi32>
    %xor3A_958 = arith.constant 8 : i32
    %xor3A_959 = vector.broadcast %xor3A_958 : i32 to vector<16xi32>
    %xor3A_960 = arith.xori %iota3A_936, %xor3A_959 : vector<16xi32>
    %reshape3A_961 = vector.shape_cast %xor3A_960 : vector<16xi32> to vector<16x1xi32>
    %gather3A_962 = vector.shape_cast %reshape3A_961 : vector<16x1xi32> to vector<16xi32>
    %gather3A_963 = tpu.dynamic_gather %min3A_957[%gather3A_962] in [0] : vector<16xi32>, vector<16xi32> -> vector<16xi32>
    %min3A_964 = arith.minsi %min3A_957, %gather3A_963 : vector<16xi32>
    %swap3A_965 = arith.constant 0 : i32
    %swap3A_966 = arith.index_cast %swap3A_965 : i32 to index
    %swap3A_967 = arith.constant 0 : index
    %swap3A_968 = tpu.vector_load %arg10[%swap3A_966, %swap3A_967] {strides = array<i32>} : memref<1x16xi32, #tpu.memory_space<vmem>>, vector<1x16xi32>,
    %swap3A_969 = vector.shape_cast %swap3A_968 : vector<1x16xi32> to vector<16xi32>
    %swap3A_970 = vector.shape_cast %min3A_964 : vector<16xi32> to vector<1x16xi32>
    tpu.vector_store %arg10[%swap3A_966, %swap3A_967], %swap3A_970 {strides = array<i32>} : memref<1x16xi32, #tpu.memory_space<vmem>>, vector<1x16xi32>,
    "tpu.region"() ({
      %run_scoped3A = tpu.sem_alloc : memref<!tpu.dma_semaphore, #tpu.memory_space<semaphore_mem>>
      %dma_start3A_1203 = arith.constant 0 : i32
      %dma_start3A_1204 = tpu.memref_slice %arg5[%add3A_598, %dma_start3A_1203] : memref<64x16xi32, #tpu.memory_space<hbm>> -> memref<1x16xi32, #tpu.memory_space<hbm>>
      %dma_start3A_1205 = arith.constant 0 : i32
      %dma_start3A_1206 = tpu.memref_slice %arg5[%add3A_598, %dma_start3A_1205] : memref<64x16xi32, #tpu.memory_space<hbm>> -> memref<1x16xi32, #tpu.memory_space<hbm>>
      tpu.enqueue_dma source(%arg10 : memref<1x16xi32, #tpu.memory_space<vmem>>) target(%dma_start3A_1206 : memref<1x16xi32, #tpu.memory_space<hbm>>) target_semaphore(%run_scoped3A : memref<!tpu.dma_semaphore, #tpu.memory_space<semaphore_mem>>)
      %dma_wait3A_1207 = arith.constant 0 : i32
      %dma_wait3A_1208 = tpu.memref_slice %arg5[%add3A_598, %dma_wait3A_1207] : memref<64x16xi32, #tpu.memory_space<hbm>> -> memref<1x16xi32, #tpu.memory_space<hbm>>
      %dma_wait3A_1209 = arith.constant 0 : i32
      %dma_wait3A_1210 = tpu.memref_slice %arg5[%add3A_598, %dma_wait3A_1209] : memref<64x16xi32, #tpu.memory_space<hbm>> -> memref<1x16xi32, #tpu.memory_space<hbm>>
      tpu.wait_dma2 semaphore(%run_scoped3A : memref<!tpu.dma_semaphore, #tpu.memory_space<semaphore_mem>>) src(%arg10 : memref<1x16xi32, #tpu.memory_space<vmem>>) dst(%dma_wait3A_1210 : memref<1x16xi32, #tpu.memory_space<hbm>>)
      tpu.yield
    }) : () -> ()
    %swap3A_971 = arith.constant 0 : index
    %swap3A_972 = tpu.vector_load %arg9[%swap3A_971] {strides = array<i32>} : memref<16xi32, #tpu.memory_space<vmem>>, vector<16xi32>,
    %swap3A_973 = vector.shape_cast %swap3A_972 : vector<16xi32> to vector<16xi32>
    %swap3A_974 = vector.shape_cast %min3A_964 : vector<16xi32> to vector<16xi32>
    tpu.vector_store %arg9[%swap3A_971], %swap3A_974 {strides = array<i32>} : memref<16xi32, #tpu.memory_space<vmem>>, vector<16xi32>,
    %dma_start3A_975 = arith.constant 0 : i32
    %dma_start3A_976 = arith.constant 0 : i32
    %dma_start3A_977 = tpu.memref_slice %arg3[%dma_start3A_975, %dma_start3A_976] : memref<256x256xf32, #tpu.memory_space<hbm>> -> memref<256x256xf32, #tpu.memory_space<hbm>>
    tpu.enqueue_indirect_dma source(%dma_start3A_977 : memref<256x256xf32, #tpu.memory_space<hbm>>) target(%arg7 : memref<16x256xf32, #tpu.memory_space<vmem>>) offsets(%arg9 : memref<16xi32, #tpu.memory_space<vmem>>) semaphore(%arg11 : memref<!tpu.dma_semaphore, #tpu.memory_space<semaphore_mem>>)
    %dma_wait3A_978 = arith.constant 0 : i32
    %dma_wait3A_979 = arith.constant 0 : i32
    %dma_wait3A_980 = tpu.memref_slice %arg3[%dma_wait3A_978, %dma_wait3A_979] : memref<256x256xf32, #tpu.memory_space<hbm>> -> memref<256x256xf32, #tpu.memory_space<hbm>>
    tpu.wait_indirect_dma semaphore(%arg11 : memref<!tpu.dma_semaphore, #tpu.memory_space<semaphore_mem>>) src(%dma_wait3A_980 : memref<256x256xf32, #tpu.memory_space<hbm>>) dst(%arg7 : memref<16x256xf32, #tpu.memory_space<vmem>>)
    %eq3A_981 = arith.constant 0.000000e+00 : f32
    %eq3A_982 = vector.broadcast %eq3A_981 : f32 to vector<16xf32>
    %eq3A_983 = arith.cmpf oeq, %max3A_725, %eq3A_982 : vector<16xf32>
    %jit3A_984 = arith.constant 0.000000e+00 : f32
    %jit3A_985 = arith.constant 1.000000e+00 : f32
    %broadcast_in_dim3A_986 = vector.broadcast %jit3A_984 : f32 to vector<16xf32>
    %broadcast_in_dim3A_987 = vector.broadcast %jit3A_985 : f32 to vector<16xf32>
    %select_n3A_988 = arith.select %eq3A_983, %broadcast_in_dim3A_986, %broadcast_in_dim3A_987 : vector<16xi1>, vector<16xf32>
    %sub3A_989 = arith.constant 1.000000e+00 : f32
    %sub3A_990 = vector.broadcast %sub3A_989 : f32 to vector<16xf32>
    %sub3A_991 = arith.subf %sub3A_990, %select_n3A_988 : vector<16xf32>
    %mul3A_992 = arith.constant 1.000000e+02 : f32
    %mul3A_993 = vector.broadcast %mul3A_992 : f32 to vector<16xf32>
    %mul3A_994 = arith.mulf %sub3A_991, %mul3A_993 : vector<16xf32>
    %get3A_995 = arith.constant 0 : i32
    %get3A_996 = arith.index_cast %get3A_995 : i32 to index
    %get3A_997 = arith.constant 0 : index
    %get3A_998 = tpu.vector_load %arg7[%get3A_996, %get3A_997] {strides = array<i32>} : memref<16x256xf32, #tpu.memory_space<vmem>>, vector<1x16xf32>,
    %get3A_999 = vector.shape_cast %get3A_998 : vector<1x16xf32> to vector<16xf32>
    %mul3A_1000 = arith.mulf %get3A_999, %select_n3A_988 : vector<16xf32>
    %add3A_1001 = arith.addf %mul3A_1000, %mul3A_994 : vector<16xf32>
    %swap3A_1002 = arith.constant 0 : i32
    %swap3A_1003 = arith.index_cast %swap3A_1002 : i32 to index
    %swap3A_1004 = arith.constant 0 : index
    %swap3A_1005 = tpu.vector_load %arg8[%swap3A_1003, %swap3A_1004] {strides = array<i32>} : memref<1x256xf32, #tpu.memory_space<vmem>>, vector<1x16xf32>,
    %swap3A_1006 = vector.shape_cast %swap3A_1005 : vector<1x16xf32> to vector<16xf32>
    %swap3A_1007 = vector.shape_cast %add3A_1001 : vector<16xf32> to vector<1x16xf32>
    tpu.vector_store %arg8[%swap3A_1003, %swap3A_1004], %swap3A_1007 {strides = array<i32>} : memref<1x256xf32, #tpu.memory_space<vmem>>, vector<1x16xf32>,
    %get3A_1008 = arith.constant 0 : i32
    %get3A_1009 = arith.index_cast %get3A_1008 : i32 to index
    %get3A_1010 = arith.constant 16 : index
    %get3A_1011 = tpu.vector_load %arg7[%get3A_1009, %get3A_1010] {strides = array<i32>} : memref<16x256xf32, #tpu.memory_space<vmem>>, vector<1x16xf32>,
    %get3A_1012 = vector.shape_cast %get3A_1011 : vector<1x16xf32> to vector<16xf32>
    %mul3A_1013 = arith.mulf %get3A_1012, %select_n3A_988 : vector<16xf32>
    %add3A_1014 = arith.addf %mul3A_1013, %mul3A_994 : vector<16xf32>
    %swap3A_1015 = arith.constant 0 : i32
    %swap3A_1016 = arith.index_cast %swap3A_1015 : i32 to index
    %swap3A_1017 = arith.constant 16 : index
    %swap3A_1018 = tpu.vector_load %arg8[%swap3A_1016, %swap3A_1017] {strides = array<i32>} : memref<1x256xf32, #tpu.memory_space<vmem>>, vector<1x16xf32>,
    %swap3A_1019 = vector.shape_cast %swap3A_1018 : vector<1x16xf32> to vector<16xf32>
    %swap3A_1020 = vector.shape_cast %add3A_1014 : vector<16xf32> to vector<1x16xf32>
    tpu.vector_store %arg8[%swap3A_1016, %swap3A_1017], %swap3A_1020 {strides = array<i32>} : memref<1x256xf32, #tpu.memory_space<vmem>>, vector<1x16xf32>,
    %get3A_1021 = arith.constant 0 : i32
    %get3A_1022 = arith.index_cast %get3A_1021 : i32 to index
    %get3A_1023 = arith.constant 32 : index
    %get3A_1024 = tpu.vector_load %arg7[%get3A_1022, %get3A_1023] {strides = array<i32>} : memref<16x256xf32, #tpu.memory_space<vmem>>, vector<1x16xf32>,
    %get3A_1025 = vector.shape_cast %get3A_1024 : vector<1x16xf32> to vector<16xf32>
    %mul3A_1026 = arith.mulf %get3A_1025, %select_n3A_988 : vector<16xf32>
    %add3A_1027 = arith.addf %mul3A_1026, %mul3A_994 : vector<16xf32>
    %swap3A_1028 = arith.constant 0 : i32
    %swap3A_1029 = arith.index_cast %swap3A_1028 : i32 to index
    %swap3A_1030 = arith.constant 32 : index
    %swap3A_1031 = tpu.vector_load %arg8[%swap3A_1029, %swap3A_1030] {strides = array<i32>} : memref<1x256xf32, #tpu.memory_space<vmem>>, vector<1x16xf32>,
    %swap3A_1032 = vector.shape_cast %swap3A_1031 : vector<1x16xf32> to vector<16xf32>
    %swap3A_1033 = vector.shape_cast %add3A_1027 : vector<16xf32> to vector<1x16xf32>
    tpu.vector_store %arg8[%swap3A_1029, %swap3A_1030], %swap3A_1033 {strides = array<i32>} : memref<1x256xf32, #tpu.memory_space<vmem>>, vector<1x16xf32>,
    %get3A_1034 = arith.constant 0 : i32
    %get3A_1035 = arith.index_cast %get3A_1034 : i32 to index
    %get3A_1036 = arith.constant 48 : index
    %get3A_1037 = tpu.vector_load %arg7[%get3A_1035, %get3A_1036] {strides = array<i32>} : memref<16x256xf32, #tpu.memory_space<vmem>>, vector<1x16xf32>,
    %get3A_1038 = vector.shape_cast %get3A_1037 : vector<1x16xf32> to vector<16xf32>
    %mul3A_1039 = arith.mulf %get3A_1038, %select_n3A_988 : vector<16xf32>
    %add3A_1040 = arith.addf %mul3A_1039, %mul3A_994 : vector<16xf32>
    %swap3A_1041 = arith.constant 0 : i32
    %swap3A_1042 = arith.index_cast %swap3A_1041 : i32 to index
    %swap3A_1043 = arith.constant 48 : index
    %swap3A_1044 = tpu.vector_load %arg8[%swap3A_1042, %swap3A_1043] {strides = array<i32>} : memref<1x256xf32, #tpu.memory_space<vmem>>, vector<1x16xf32>,
    %swap3A_1045 = vector.shape_cast %swap3A_1044 : vector<1x16xf32> to vector<16xf32>
    %swap3A_1046 = vector.shape_cast %add3A_1040 : vector<16xf32> to vector<1x16xf32>
    tpu.vector_store %arg8[%swap3A_1042, %swap3A_1043], %swap3A_1046 {strides = array<i32>} : memref<1x256xf32, #tpu.memory_space<vmem>>, vector<1x16xf32>,
    %get3A_1047 = arith.constant 0 : i32
    %get3A_1048 = arith.index_cast %get3A_1047 : i32 to index
    %get3A_1049 = arith.constant 64 : index
    %get3A_1050 = tpu.vector_load %arg7[%get3A_1048, %get3A_1049] {strides = array<i32>} : memref<16x256xf32, #tpu.memory_space<vmem>>, vector<1x16xf32>,
    %get3A_1051 = vector.shape_cast %get3A_1050 : vector<1x16xf32> to vector<16xf32>
    %mul3A_1052 = arith.mulf %get3A_1051, %select_n3A_988 : vector<16xf32>
    %add3A_1053 = arith.addf %mul3A_1052, %mul3A_994 : vector<16xf32>
    %swap3A_1054 = arith.constant 0 : i32
    %swap3A_1055 = arith.index_cast %swap3A_1054 : i32 to index
    %swap3A_1056 = arith.constant 64 : index
    %swap3A_1057 = tpu.vector_load %arg8[%swap3A_1055, %swap3A_1056] {strides = array<i32>} : memref<1x256xf32, #tpu.memory_space<vmem>>, vector<1x16xf32>,
    %swap3A_1058 = vector.shape_cast %swap3A_1057 : vector<1x16xf32> to vector<16xf32>
    %swap3A_1059 = vector.shape_cast %add3A_1053 : vector<16xf32> to vector<1x16xf32>
    tpu.vector_store %arg8[%swap3A_1055, %swap3A_1056], %swap3A_1059 {strides = array<i32>} : memref<1x256xf32, #tpu.memory_space<vmem>>, vector<1x16xf32>,
    %get3A_1060 = arith.constant 0 : i32
    %get3A_1061 = arith.index_cast %get3A_1060 : i32 to index
    %get3A_1062 = arith.constant 80 : index
    %get3A_1063 = tpu.vector_load %arg7[%get3A_1061, %get3A_1062] {strides = array<i32>} : memref<16x256xf32, #tpu.memory_space<vmem>>, vector<1x16xf32>,
    %get3A_1064 = vector.shape_cast %get3A_1063 : vector<1x16xf32> to vector<16xf32>
    %mul3A_1065 = arith.mulf %get3A_1064, %select_n3A_988 : vector<16xf32>
    %add3A_1066 = arith.addf %mul3A_1065, %mul3A_994 : vector<16xf32>
    %swap3A_1067 = arith.constant 0 : i32
    %swap3A_1068 = arith.index_cast %swap3A_1067 : i32 to index
    %swap3A_1069 = arith.constant 80 : index
    %swap3A_1070 = tpu.vector_load %arg8[%swap3A_1068, %swap3A_1069] {strides = array<i32>} : memref<1x256xf32, #tpu.memory_space<vmem>>, vector<1x16xf32>,
    %swap3A_1071 = vector.shape_cast %swap3A_1070 : vector<1x16xf32> to vector<16xf32>
    %swap3A_1072 = vector.shape_cast %add3A_1066 : vector<16xf32> to vector<1x16xf32>
    tpu.vector_store %arg8[%swap3A_1068, %swap3A_1069], %swap3A_1072 {strides = array<i32>} : memref<1x256xf32, #tpu.memory_space<vmem>>, vector<1x16xf32>,
    %get3A_1073 = arith.constant 0 : i32
    %get3A_1074 = arith.index_cast %get3A_1073 : i32 to index
    %get3A_1075 = arith.constant 96 : index
    %get3A_1076 = tpu.vector_load %arg7[%get3A_1074, %get3A_1075] {strides = array<i32>} : memref<16x256xf32, #tpu.memory_space<vmem>>, vector<1x16xf32>,
    %get3A_1077 = vector.shape_cast %get3A_1076 : vector<1x16xf32> to vector<16xf32>
    %mul3A_1078 = arith.mulf %get3A_1077, %select_n3A_988 : vector<16xf32>
    %add3A_1079 = arith.addf %mul3A_1078, %mul3A_994 : vector<16xf32>
    %swap3A_1080 = arith.constant 0 : i32
    %swap3A_1081 = arith.index_cast %swap3A_1080 : i32 to index
    %swap3A_1082 = arith.constant 96 : index
    %swap3A_1083 = tpu.vector_load %arg8[%swap3A_1081, %swap3A_1082] {strides = array<i32>} : memref<1x256xf32, #tpu.memory_space<vmem>>, vector<1x16xf32>,
    %swap3A_1084 = vector.shape_cast %swap3A_1083 : vector<1x16xf32> to vector<16xf32>
    %swap3A_1085 = vector.shape_cast %add3A_1079 : vector<16xf32> to vector<1x16xf32>
    tpu.vector_store %arg8[%swap3A_1081, %swap3A_1082], %swap3A_1085 {strides = array<i32>} : memref<1x256xf32, #tpu.memory_space<vmem>>, vector<1x16xf32>,
    %get3A_1086 = arith.constant 0 : i32
    %get3A_1087 = arith.index_cast %get3A_1086 : i32 to index
    %get3A_1088 = arith.constant 112 : index
    %get3A_1089 = tpu.vector_load %arg7[%get3A_1087, %get3A_1088] {strides = array<i32>} : memref<16x256xf32, #tpu.memory_space<vmem>>, vector<1x16xf32>,
    %get3A_1090 = vector.shape_cast %get3A_1089 : vector<1x16xf32> to vector<16xf32>
    %mul3A_1091 = arith.mulf %get3A_1090, %select_n3A_988 : vector<16xf32>
    %add3A_1092 = arith.addf %mul3A_1091, %mul3A_994 : vector<16xf32>
    %swap3A_1093 = arith.constant 0 : i32
    %swap3A_1094 = arith.index_cast %swap3A_1093 : i32 to index
    %swap3A_1095 = arith.constant 112 : index
    %swap3A_1096 = tpu.vector_load %arg8[%swap3A_1094, %swap3A_1095] {strides = array<i32>} : memref<1x256xf32, #tpu.memory_space<vmem>>, vector<1x16xf32>,
    %swap3A_1097 = vector.shape_cast %swap3A_1096 : vector<1x16xf32> to vector<16xf32>
    %swap3A_1098 = vector.shape_cast %add3A_1092 : vector<16xf32> to vector<1x16xf32>
    tpu.vector_store %arg8[%swap3A_1094, %swap3A_1095], %swap3A_1098 {strides = array<i32>} : memref<1x256xf32, #tpu.memory_space<vmem>>, vector<1x16xf32>,
    %get3A_1099 = arith.constant 0 : i32
    %get3A_1100 = arith.index_cast %get3A_1099 : i32 to index
    %get3A_1101 = arith.constant 128 : index
    %get3A_1102 = tpu.vector_load %arg7[%get3A_1100, %get3A_1101] {strides = array<i32>} : memref<16x256xf32, #tpu.memory_space<vmem>>, vector<1x16xf32>,
    %get3A_1103 = vector.shape_cast %get3A_1102 : vector<1x16xf32> to vector<16xf32>
    %mul3A_1104 = arith.mulf %get3A_1103, %select_n3A_988 : vector<16xf32>
    %add3A_1105 = arith.addf %mul3A_1104, %mul3A_994 : vector<16xf32>
    %swap3A_1106 = arith.constant 0 : i32
    %swap3A_1107 = arith.index_cast %swap3A_1106 : i32 to index
    %swap3A_1108 = arith.constant 128 : index
    %swap3A_1109 = tpu.vector_load %arg8[%swap3A_1107, %swap3A_1108] {strides = array<i32>} : memref<1x256xf32, #tpu.memory_space<vmem>>, vector<1x16xf32>,
    %swap3A_1110 = vector.shape_cast %swap3A_1109 : vector<1x16xf32> to vector<16xf32>
    %swap3A_1111 = vector.shape_cast %add3A_1105 : vector<16xf32> to vector<1x16xf32>
    tpu.vector_store %arg8[%swap3A_1107, %swap3A_1108], %swap3A_1111 {strides = array<i32>} : memref<1x256xf32, #tpu.memory_space<vmem>>, vector<1x16xf32>,
    %get3A_1112 = arith.constant 0 : i32
    %get3A_1113 = arith.index_cast %get3A_1112 : i32 to index
    %get3A_1114 = arith.constant 144 : index
    %get3A_1115 = tpu.vector_load %arg7[%get3A_1113, %get3A_1114] {strides = array<i32>} : memref<16x256xf32, #tpu.memory_space<vmem>>, vector<1x16xf32>,
    %get3A_1116 = vector.shape_cast %get3A_1115 : vector<1x16xf32> to vector<16xf32>
    %mul3A_1117 = arith.mulf %get3A_1116, %select_n3A_988 : vector<16xf32>
    %add3A_1118 = arith.addf %mul3A_1117, %mul3A_994 : vector<16xf32>
    %swap3A_1119 = arith.constant 0 : i32
    %swap3A_1120 = arith.index_cast %swap3A_1119 : i32 to index
    %swap3A_1121 = arith.constant 144 : index
    %swap3A_1122 = tpu.vector_load %arg8[%swap3A_1120, %swap3A_1121] {strides = array<i32>} : memref<1x256xf32, #tpu.memory_space<vmem>>, vector<1x16xf32>,
    %swap3A_1123 = vector.shape_cast %swap3A_1122 : vector<1x16xf32> to vector<16xf32>
    %swap3A_1124 = vector.shape_cast %add3A_1118 : vector<16xf32> to vector<1x16xf32>
    tpu.vector_store %arg8[%swap3A_1120, %swap3A_1121], %swap3A_1124 {strides = array<i32>} : memref<1x256xf32, #tpu.memory_space<vmem>>, vector<1x16xf32>,
    %get3A_1125 = arith.constant 0 : i32
    %get3A_1126 = arith.index_cast %get3A_1125 : i32 to index
    %get3A_1127 = arith.constant 160 : index
    %get3A_1128 = tpu.vector_load %arg7[%get3A_1126, %get3A_1127] {strides = array<i32>} : memref<16x256xf32, #tpu.memory_space<vmem>>, vector<1x16xf32>,
    %get3A_1129 = vector.shape_cast %get3A_1128 : vector<1x16xf32> to vector<16xf32>
    %mul3A_1130 = arith.mulf %get3A_1129, %select_n3A_988 : vector<16xf32>
    %add3A_1131 = arith.addf %mul3A_1130, %mul3A_994 : vector<16xf32>
    %swap3A_1132 = arith.constant 0 : i32
    %swap3A_1133 = arith.index_cast %swap3A_1132 : i32 to index
    %swap3A_1134 = arith.constant 160 : index
    %swap3A_1135 = tpu.vector_load %arg8[%swap3A_1133, %swap3A_1134] {strides = array<i32>} : memref<1x256xf32, #tpu.memory_space<vmem>>, vector<1x16xf32>,
    %swap3A_1136 = vector.shape_cast %swap3A_1135 : vector<1x16xf32> to vector<16xf32>
    %swap3A_1137 = vector.shape_cast %add3A_1131 : vector<16xf32> to vector<1x16xf32>
    tpu.vector_store %arg8[%swap3A_1133, %swap3A_1134], %swap3A_1137 {strides = array<i32>} : memref<1x256xf32, #tpu.memory_space<vmem>>, vector<1x16xf32>,
    %get3A_1138 = arith.constant 0 : i32
    %get3A_1139 = arith.index_cast %get3A_1138 : i32 to index
    %get3A_1140 = arith.constant 176 : index
    %get3A_1141 = tpu.vector_load %arg7[%get3A_1139, %get3A_1140] {strides = array<i32>} : memref<16x256xf32, #tpu.memory_space<vmem>>, vector<1x16xf32>,
    %get3A_1142 = vector.shape_cast %get3A_1141 : vector<1x16xf32> to vector<16xf32>
    %mul3A_1143 = arith.mulf %get3A_1142, %select_n3A_988 : vector<16xf32>
    %add3A_1144 = arith.addf %mul3A_1143, %mul3A_994 : vector<16xf32>
    %swap3A_1145 = arith.constant 0 : i32
    %swap3A_1146 = arith.index_cast %swap3A_1145 : i32 to index
    %swap3A_1147 = arith.constant 176 : index
    %swap3A_1148 = tpu.vector_load %arg8[%swap3A_1146, %swap3A_1147] {strides = array<i32>} : memref<1x256xf32, #tpu.memory_space<vmem>>, vector<1x16xf32>,
    %swap3A_1149 = vector.shape_cast %swap3A_1148 : vector<1x16xf32> to vector<16xf32>
    %swap3A_1150 = vector.shape_cast %add3A_1144 : vector<16xf32> to vector<1x16xf32>
    tpu.vector_store %arg8[%swap3A_1146, %swap3A_1147], %swap3A_1150 {strides = array<i32>} : memref<1x256xf32, #tpu.memory_space<vmem>>, vector<1x16xf32>,
    %get3A_1151 = arith.constant 0 : i32
    %get3A_1152 = arith.index_cast %get3A_1151 : i32 to index
    %get3A_1153 = arith.constant 192 : index
    %get3A_1154 = tpu.vector_load %arg7[%get3A_1152, %get3A_1153] {strides = array<i32>} : memref<16x256xf32, #tpu.memory_space<vmem>>, vector<1x16xf32>,
    %get3A_1155 = vector.shape_cast %get3A_1154 : vector<1x16xf32> to vector<16xf32>
    %mul3A_1156 = arith.mulf %get3A_1155, %select_n3A_988 : vector<16xf32>
    %add3A_1157 = arith.addf %mul3A_1156, %mul3A_994 : vector<16xf32>
    %swap3A_1158 = arith.constant 0 : i32
    %swap3A_1159 = arith.index_cast %swap3A_1158 : i32 to index
    %swap3A_1160 = arith.constant 192 : index
    %swap3A_1161 = tpu.vector_load %arg8[%swap3A_1159, %swap3A_1160] {strides = array<i32>} : memref<1x256xf32, #tpu.memory_space<vmem>>, vector<1x16xf32>,
    %swap3A_1162 = vector.shape_cast %swap3A_1161 : vector<1x16xf32> to vector<16xf32>
    %swap3A_1163 = vector.shape_cast %add3A_1157 : vector<16xf32> to vector<1x16xf32>
    tpu.vector_store %arg8[%swap3A_1159, %swap3A_1160], %swap3A_1163 {strides = array<i32>} : memref<1x256xf32, #tpu.memory_space<vmem>>, vector<1x16xf32>,
    %get3A_1164 = arith.constant 0 : i32
    %get3A_1165 = arith.index_cast %get3A_1164 : i32 to index
    %get3A_1166 = arith.constant 208 : index
    %get3A_1167 = tpu.vector_load %arg7[%get3A_1165, %get3A_1166] {strides = array<i32>} : memref<16x256xf32, #tpu.memory_space<vmem>>, vector<1x16xf32>,
    %get3A_1168 = vector.shape_cast %get3A_1167 : vector<1x16xf32> to vector<16xf32>
    %mul3A_1169 = arith.mulf %get3A_1168, %select_n3A_988 : vector<16xf32>
    %add3A_1170 = arith.addf %mul3A_1169, %mul3A_994 : vector<16xf32>
    %swap3A_1171 = arith.constant 0 : i32
    %swap3A_1172 = arith.index_cast %swap3A_1171 : i32 to index
    %swap3A_1173 = arith.constant 208 : index
    %swap3A_1174 = tpu.vector_load %arg8[%swap3A_1172, %swap3A_1173] {strides = array<i32>} : memref<1x256xf32, #tpu.memory_space<vmem>>, vector<1x16xf32>,
    %swap3A_1175 = vector.shape_cast %swap3A_1174 : vector<1x16xf32> to vector<16xf32>
    %swap3A_1176 = vector.shape_cast %add3A_1170 : vector<16xf32> to vector<1x16xf32>
    tpu.vector_store %arg8[%swap3A_1172, %swap3A_1173], %swap3A_1176 {strides = array<i32>} : memref<1x256xf32, #tpu.memory_space<vmem>>, vector<1x16xf32>,
    %get3A_1177 = arith.constant 0 : i32
    %get3A_1178 = arith.index_cast %get3A_1177 : i32 to index
    %get3A_1179 = arith.constant 224 : index
    %get3A_1180 = tpu.vector_load %arg7[%get3A_1178, %get3A_1179] {strides = array<i32>} : memref<16x256xf32, #tpu.memory_space<vmem>>, vector<1x16xf32>,
    %get3A_1181 = vector.shape_cast %get3A_1180 : vector<1x16xf32> to vector<16xf32>
    %mul3A_1182 = arith.mulf %get3A_1181, %select_n3A_988 : vector<16xf32>
    %add3A_1183 = arith.addf %mul3A_1182, %mul3A_994 : vector<16xf32>
    %swap3A_1184 = arith.constant 0 : i32
    %swap3A_1185 = arith.index_cast %swap3A_1184 : i32 to index
    %swap3A_1186 = arith.constant 224 : index
    %swap3A_1187 = tpu.vector_load %arg8[%swap3A_1185, %swap3A_1186] {strides = array<i32>} : memref<1x256xf32, #tpu.memory_space<vmem>>, vector<1x16xf32>,
    %swap3A_1188 = vector.shape_cast %swap3A_1187 : vector<1x16xf32> to vector<16xf32>
    %swap3A_1189 = vector.shape_cast %add3A_1183 : vector<16xf32> to vector<1x16xf32>
    tpu.vector_store %arg8[%swap3A_1185, %swap3A_1186], %swap3A_1189 {strides = array<i32>} : memref<1x256xf32, #tpu.memory_space<vmem>>, vector<1x16xf32>,
    %get3A_1190 = arith.constant 0 : i32
    %get3A_1191 = arith.index_cast %get3A_1190 : i32 to index
    %get3A_1192 = arith.constant 240 : index
    %get3A_1193 = tpu.vector_load %arg7[%get3A_1191, %get3A_1192] {strides = array<i32>} : memref<16x256xf32, #tpu.memory_space<vmem>>, vector<1x16xf32>,
    %get3A_1194 = vector.shape_cast %get3A_1193 : vector<1x16xf32> to vector<16xf32>
    %mul3A_1195 = arith.mulf %get3A_1194, %select_n3A_988 : vector<16xf32>
    %add3A_1196 = arith.addf %mul3A_1195, %mul3A_994 : vector<16xf32>
    %swap3A_1197 = arith.constant 0 : i32
    %swap3A_1198 = arith.index_cast %swap3A_1197 : i32 to index
    %swap3A_1199 = arith.constant 240 : index
    %swap3A_1200 = tpu.vector_load %arg8[%swap3A_1198, %swap3A_1199] {strides = array<i32>} : memref<1x256xf32, #tpu.memory_space<vmem>>, vector<1x16xf32>,
    %swap3A_1201 = vector.shape_cast %swap3A_1200 : vector<1x16xf32> to vector<16xf32>
    %swap3A_1202 = vector.shape_cast %add3A_1196 : vector<16xf32> to vector<1x16xf32>
    tpu.vector_store %arg8[%swap3A_1198, %swap3A_1199], %swap3A_1202 {strides = array<i32>} : memref<1x256xf32, #tpu.memory_space<vmem>>, vector<1x16xf32>,
    "tpu.region"() ({
      %run_scoped3A = tpu.sem_alloc : memref<!tpu.dma_semaphore, #tpu.memory_space<semaphore_mem>>
      %dma_start3A_1203 = arith.constant 0 : i32
      %dma_start3A_1204 = tpu.memref_slice %arg4[%add3A_598, %dma_start3A_1203] : memref<64x256xf32, #tpu.memory_space<hbm>> -> memref<1x256xf32, #tpu.memory_space<hbm>>
      %dma_start3A_1205 = arith.constant 0 : i32
      %dma_start3A_1206 = tpu.memref_slice %arg4[%add3A_598, %dma_start3A_1205] : memref<64x256xf32, #tpu.memory_space<hbm>> -> memref<1x256xf32, #tpu.memory_space<hbm>>
      tpu.enqueue_dma source(%arg8 : memref<1x256xf32, #tpu.memory_space<vmem>>) target(%dma_start3A_1206 : memref<1x256xf32, #tpu.memory_space<hbm>>) target_semaphore(%run_scoped3A : memref<!tpu.dma_semaphore, #tpu.memory_space<semaphore_mem>>)
      %dma_wait3A_1207 = arith.constant 0 : i32
      %dma_wait3A_1208 = tpu.memref_slice %arg4[%add3A_598, %dma_wait3A_1207] : memref<64x256xf32, #tpu.memory_space<hbm>> -> memref<1x256xf32, #tpu.memory_space<hbm>>
      %dma_wait3A_1209 = arith.constant 0 : i32
      %dma_wait3A_1210 = tpu.memref_slice %arg4[%add3A_598, %dma_wait3A_1209] : memref<64x256xf32, #tpu.memory_space<hbm>> -> memref<1x256xf32, #tpu.memory_space<hbm>>
      tpu.wait_dma2 semaphore(%run_scoped3A : memref<!tpu.dma_semaphore, #tpu.memory_space<semaphore_mem>>) src(%arg8 : memref<1x256xf32, #tpu.memory_space<vmem>>) dst(%dma_wait3A_1210 : memref<1x256xf32, #tpu.memory_space<hbm>>)
      tpu.yield
    }) : () -> ()
    return
  }
}

module attributes {stable_mosaic.version = 14 : i64} {
  func.func @_tc_kernel(%arg0: i32, %arg1: memref<64x256xf32, #tpu.memory_space<vmem>>, %arg2: memref<256x2048xf32, #tpu.memory_space<vmem>>, %arg3: memref<512x2053xf32, #tpu.memory_space<vmem>>, %arg4: memref<1x2048xf32, #tpu.memory_space<vmem>>, %arg5: memref<1x5xf32, #tpu.memory_space<vmem>>, %arg6: memref<1x512xf32, #tpu.memory_space<vmem>>, %arg7: memref<256x1280xf32, #tpu.memory_space<vmem>>, %arg8: memref<8x256x512xf32, #tpu.memory_space<vmem>>, %arg9: memref<64x512xf32, #tpu.memory_space<vmem>>, %arg10: memref<64x1280xf32, #tpu.memory_space<vmem>>, %arg11: memref<5x512xf32, #tpu.memory_space<vmem>>) attributes {dimension_semantics = [#tpu.dimension_semantics<arbitrary>], iteration_bounds = array<i64: 8>, scalar_prefetch = 0 : i64, scratch_operands = 3 : i64, tpu.core_type = #tpu.core_type<tc>, window_params = [{pipeline_mode = #tpu.pipeline_mode<synchronous>, transform_indices = @transform_0, window_bounds = array<i64: 64, 256>}, {pipeline_mode = #tpu.pipeline_mode<synchronous>, transform_indices = @transform_1, window_bounds = array<i64: 256, 2048>}, {pipeline_mode = #tpu.pipeline_mode<synchronous>, transform_indices = @transform_2, window_bounds = array<i64: 512, 2053>}, {pipeline_mode = #tpu.pipeline_mode<synchronous>, transform_indices = @transform_3, window_bounds = array<i64: 1, 2048>}, {pipeline_mode = #tpu.pipeline_mode<synchronous>, transform_indices = @transform_4, window_bounds = array<i64: 1, 5>}, {pipeline_mode = #tpu.pipeline_mode<synchronous>, transform_indices = @transform_5, window_bounds = array<i64: 1, 512>}, {pipeline_mode = #tpu.pipeline_mode<synchronous>, transform_indices = @transform_6, window_bounds = array<i64: 256, 1280>}, {transform_indices = @transform_7, window_bounds = array<i64: 8, 256, 512>}]} {
    %eq3A = arith.constant 0 : i32
    %eq3A_0 = arith.cmpi eq, %arg0, %eq3A : i32
    %convert_element_type3A = arith.extui %eq3A_0 : i1 to i32
    %cond3A = arith.constant 0 : i32
    %cond3A_1 = arith.cmpi ne, %convert_element_type3A, %cond3A : i32
    scf.if %cond3A_1 {
      %get3A_58 = arith.constant 0 : index
      %get3A_59 = arith.constant 0 : index
      %get3A_60 = vector.load %arg1[%get3A_58, %get3A_59] : memref<64x256xf32, #tpu.memory_space<vmem>>, vector<64x256xf32>
      %reduce_max3A = arith.constant dense<0xFF800000> : vector<64xf32>
      %reduce_max3A_61 = vector.multi_reduction <maximumf>, %get3A_60, %reduce_max3A [1] : vector<64x256xf32> to vector<64xf32>
      %broadcast_in_dim3A_62 = vector.shape_cast %reduce_max3A_61 : vector<64xf32> to vector<64x1xf32>
      %iota3A = tpu.iota {dimensions = array<i32: 1>} : vector<64x256xi32>
      %eq3A_63 = vector.broadcast %broadcast_in_dim3A_62 : vector<64x1xf32> to vector<64x256xf32>
      %eq3A_64 = arith.cmpf oeq, %get3A_60, %eq3A_63 : vector<64x256xf32>
      %jit3A = arith.constant 256 : i32
      %broadcast_in_dim3A_65 = vector.broadcast %jit3A : i32 to vector<64x256xi32>
      %select_n3A = arith.select %eq3A_64, %iota3A, %broadcast_in_dim3A_65 : vector<64x256xi1>, vector<64x256xi32>
      %reduce_min3A = arith.constant dense<2147483647> : vector<64xi32>
      %reduce_min3A_66 = vector.multi_reduction <minsi>, %select_n3A, %reduce_min3A [1] : vector<64x256xi32> to vector<64xi32>
      %broadcast_in_dim3A_67 = vector.shape_cast %reduce_min3A_66 : vector<64xi32> to vector<64x1xi32>
      %eq3A_68 = vector.broadcast %broadcast_in_dim3A_67 : vector<64x1xi32> to vector<64x256xi32>
      %eq3A_69 = arith.cmpi eq, %iota3A, %eq3A_68 : vector<64x256xi32>
      %convert_element_type3A_70 = arith.extui %eq3A_69 : vector<64x256xi1> to vector<64x256xi32>
      %convert_element_type3A_71 = arith.sitofp %convert_element_type3A_70 : vector<64x256xi32> to vector<64x256xf32>
      %eq3A_72 = arith.constant 0.000000e+00 : f32
      %eq3A_73 = vector.broadcast %eq3A_72 : f32 to vector<64x1xf32>
      %eq3A_74 = arith.cmpf oeq, %broadcast_in_dim3A_62, %eq3A_73 : vector<64x1xf32>
      %jit3A_75 = arith.constant 0.000000e+00 : f32
      %jit3A_76 = arith.constant 1.000000e+00 : f32
      %broadcast_in_dim3A_77 = vector.broadcast %jit3A_75 : f32 to vector<64x1xf32>
      %broadcast_in_dim3A_78 = vector.broadcast %jit3A_76 : f32 to vector<64x1xf32>
      %select_n3A_79 = arith.select %eq3A_74, %broadcast_in_dim3A_77, %broadcast_in_dim3A_78 : vector<64x1xi1>, vector<64x1xf32>
      %get3A_80 = arith.constant 0 : index
      %get3A_81 = arith.constant 2048 : index
      %get3A_82 = vector.load %arg3[%get3A_80, %get3A_81] : memref<512x2053xf32, #tpu.memory_space<vmem>>, vector<512x5xf32>
      %get3A_83 = arith.constant 0 : index
      %get3A_84 = arith.constant 0 : index
      %get3A_85 = vector.load %arg5[%get3A_83, %get3A_84] : memref<1x5xf32, #tpu.memory_space<vmem>>, vector<1x5xf32>
      %mul3A_86 = vector.broadcast %get3A_85 : vector<1x5xf32> to vector<512x5xf32>
      %mul3A_87 = arith.mulf %get3A_82, %mul3A_86 : vector<512x5xf32>
      %transpose3A = tpu.transpose %mul3A_87, [1, 0] : vector<512x5xf32> -> vector<5x512xf32>
      %swap3A_88 = arith.constant 0 : index
      %swap3A_89 = arith.constant 0 : index
      %swap3A_90 = vector.load %arg11[%swap3A_88, %swap3A_89] : memref<5x512xf32, #tpu.memory_space<vmem>>, vector<5x512xf32>
      tpu.vector_store %arg11[%swap3A_88, %swap3A_89], %transpose3A {strides = array<i32>} : memref<5x512xf32, #tpu.memory_space<vmem>>, vector<5x512xf32>,
      %get3A_91 = arith.constant 0 : index
      %get3A_92 = arith.constant 0 : index
      %get3A_93 = vector.load %arg7[%get3A_91, %get3A_92] : memref<256x1280xf32, #tpu.memory_space<vmem>>, vector<256x1280xf32>
      %dot_general3A = arith.constant dense<0.000000e+00> : vector<64x1280xf32>
      %dot_general3A_94 = tpu.matmul %convert_element_type3A_71, %get3A_93, %dot_general3A {dimension_numbers = #tpu.dot_dimension_numbers<[1], [0], [0], [1], [0, 0, 1, 1], [], []>, precision = #tpu.contract_precision<fp32>, transpose_lhs_hint = false} : vector<64x256xf32>, vector<256x1280xf32>, vector<64x1280xf32> -> vector<64x1280xf32>
      %slice3A_95 = vector.extract_strided_slice %dot_general3A_94 {offsets = [0, 0], sizes = [64, 256], strides = [1, 1]} : vector<64x1280xf32> to vector<64x256xf32>
      %slice3A_96 = vector.extract_strided_slice %dot_general3A_94 {offsets = [0, 0], sizes = [64, 256], strides = [1, 1]} : vector<64x1280xf32> to vector<64x256xf32>
      %mul3A_97 = arith.mulf %slice3A_95, %slice3A_96 : vector<64x256xf32>
      %slice3A_98 = vector.extract_strided_slice %dot_general3A_94 {offsets = [0, 256], sizes = [64, 256], strides = [1, 1]} : vector<64x1280xf32> to vector<64x256xf32>
      %mul3A_99 = arith.mulf %slice3A_98, %slice3A_98 : vector<64x256xf32>
      %add3A_100 = arith.addf %mul3A_97, %mul3A_99 : vector<64x256xf32>
      %slice3A_101 = vector.extract_strided_slice %dot_general3A_94 {offsets = [0, 512], sizes = [64, 256], strides = [1, 1]} : vector<64x1280xf32> to vector<64x256xf32>
      %mul3A_102 = arith.mulf %slice3A_101, %slice3A_101 : vector<64x256xf32>
      %add3A_103 = arith.addf %add3A_100, %mul3A_102 : vector<64x256xf32>
      %slice3A_104 = vector.extract_strided_slice %dot_general3A_94 {offsets = [0, 768], sizes = [64, 256], strides = [1, 1]} : vector<64x1280xf32> to vector<64x256xf32>
      %mul3A_105 = arith.mulf %slice3A_104, %slice3A_104 : vector<64x256xf32>
      %add3A_106 = arith.addf %add3A_103, %mul3A_105 : vector<64x256xf32>
      %slice3A_107 = vector.extract_strided_slice %dot_general3A_94 {offsets = [0, 1024], sizes = [64, 256], strides = [1, 1]} : vector<64x1280xf32> to vector<64x256xf32>
      %mul3A_108 = arith.mulf %slice3A_107, %slice3A_107 : vector<64x256xf32>
      %add3A_109 = arith.addf %add3A_106, %mul3A_108 : vector<64x256xf32>
      %sqrt3A = math.sqrt %add3A_109 : vector<64x256xf32>
      %max3A = arith.constant 9.99999996E-13 : f32
      %max3A_110 = vector.broadcast %max3A : f32 to vector<64x256xf32>
      %max3A_111 = arith.maximumf %sqrt3A, %max3A_110 : vector<64x256xf32>
      %div3A = vector.broadcast %select_n3A_79 : vector<64x1xf32> to vector<64x256xf32>
      %div3A_112 = arith.divf %div3A, %max3A_111 : vector<64x256xf32>
      %concatenate3A = tpu.concatenate %div3A_112, %div3A_112, %div3A_112, %div3A_112, %div3A_112 in 1 : vector<64x256xf32>, vector<64x256xf32>, vector<64x256xf32>, vector<64x256xf32>, vector<64x256xf32> -> vector<64x1280xf32>
      %mul3A_113 = arith.mulf %dot_general3A_94, %concatenate3A : vector<64x1280xf32>
      %swap3A_114 = arith.constant 0 : index
      %swap3A_115 = arith.constant 0 : index
      %swap3A_116 = vector.load %arg10[%swap3A_114, %swap3A_115] : memref<64x1280xf32, #tpu.memory_space<vmem>>, vector<64x1280xf32>
      tpu.vector_store %arg10[%swap3A_114, %swap3A_115], %mul3A_113 {strides = array<i32>} : memref<64x1280xf32, #tpu.memory_space<vmem>>, vector<64x1280xf32>,
      %get3A_117 = arith.constant 0 : index
      %get3A_118 = arith.constant 0 : index
      %get3A_119 = vector.load %arg2[%get3A_117, %get3A_118] : memref<256x2048xf32, #tpu.memory_space<vmem>>, vector<256x2048xf32>
      %dot_general3A_120 = arith.constant dense<0.000000e+00> : vector<64x2048xf32>
      %dot_general3A_121 = tpu.matmul %convert_element_type3A_71, %get3A_119, %dot_general3A_120 {dimension_numbers = #tpu.dot_dimension_numbers<[1], [0], [0], [1], [0, 0, 1, 1], [], []>, precision = #tpu.contract_precision<fp32>, transpose_lhs_hint = false} : vector<64x256xf32>, vector<256x2048xf32>, vector<64x2048xf32> -> vector<64x2048xf32>
      %mul3A_122 = arith.mulf %dot_general3A_121, %dot_general3A_121 : vector<64x2048xf32>
      %reduce_sum3A = arith.constant dense<0.000000e+00> : vector<64xf32>
      %reduce_sum3A_123 = vector.multi_reduction <add>, %mul3A_122, %reduce_sum3A [1] : vector<64x2048xf32> to vector<64xf32>
      %broadcast_in_dim3A_124 = vector.shape_cast %reduce_sum3A_123 : vector<64xf32> to vector<64x1xf32>
      %sqrt3A_125 = math.sqrt %broadcast_in_dim3A_124 : vector<64x1xf32>
      %max3A_126 = arith.constant 9.99999996E-13 : f32
      %max3A_127 = vector.broadcast %max3A_126 : f32 to vector<64x1xf32>
      %max3A_128 = arith.maximumf %sqrt3A_125, %max3A_127 : vector<64x1xf32>
      %div3A_129 = arith.divf %select_n3A_79, %max3A_128 : vector<64x1xf32>
      %mul3A_130 = vector.broadcast %div3A_129 : vector<64x1xf32> to vector<64x2048xf32>
      %mul3A_131 = arith.mulf %dot_general3A_121, %mul3A_130 : vector<64x2048xf32>
      %get3A_132 = arith.constant 0 : index
      %get3A_133 = arith.constant 0 : index
      %get3A_134 = vector.load %arg4[%get3A_132, %get3A_133] : memref<1x2048xf32, #tpu.memory_space<vmem>>, vector<1x2048xf32>
      %mul3A_135 = vector.broadcast %get3A_134 : vector<1x2048xf32> to vector<64x2048xf32>
      %mul3A_136 = arith.mulf %mul3A_131, %mul3A_135 : vector<64x2048xf32>
      %get3A_137 = arith.constant 0 : index
      %get3A_138 = arith.constant 0 : index
      %get3A_139 = vector.load %arg3[%get3A_137, %get3A_138] : memref<512x2053xf32, #tpu.memory_space<vmem>>, vector<512x2048xf32>
      %dot_general3A_140 = arith.constant dense<0.000000e+00> : vector<64x512xf32>
      %dot_general3A_141 = tpu.matmul %mul3A_136, %get3A_139, %dot_general3A_140 {dimension_numbers = #tpu.dot_dimension_numbers<[1], [1], [0], [0], [0, 0, 1, 0], [], []>, transpose_lhs_hint = false} : vector<64x2048xf32>, vector<512x2048xf32>, vector<64x512xf32> -> vector<64x512xf32>
      %get3A_142 = arith.constant 0 : index
      %get3A_143 = arith.constant 0 : index
      %get3A_144 = vector.load %arg6[%get3A_142, %get3A_143] : memref<1x512xf32, #tpu.memory_space<vmem>>, vector<1x512xf32>
      %add3A_145 = vector.broadcast %get3A_144 : vector<1x512xf32> to vector<64x512xf32>
      %add3A_146 = arith.addf %dot_general3A_141, %add3A_145 : vector<64x512xf32>
      %swap3A_147 = arith.constant 0 : index
      %swap3A_148 = arith.constant 0 : index
      %swap3A_149 = vector.load %arg9[%swap3A_147, %swap3A_148] : memref<64x512xf32, #tpu.memory_space<vmem>>, vector<64x512xf32>
      tpu.vector_store %arg9[%swap3A_147, %swap3A_148], %add3A_146 {strides = array<i32>} : memref<64x512xf32, #tpu.memory_space<vmem>>, vector<64x512xf32>,
    } else {
    }
    %mul3A = arith.constant 8 : i32
    %mul3A_2 = arith.muli %arg0, %mul3A : i32
    %get3A = arith.index_cast %mul3A_2 : i32 to index
    %get3A_3 = arith.constant 0 : index
    %get3A_4 = vector.load %arg10[%get3A, %get3A_3] : memref<64x1280xf32, #tpu.memory_space<vmem>>, vector<8x1280xf32>
    %get3A_5 = arith.constant 0 : index
    %get3A_6 = arith.constant 0 : index
    %get3A_7 = vector.load %arg11[%get3A_5, %get3A_6] : memref<5x512xf32, #tpu.memory_space<vmem>>, vector<5x512xf32>
    %get3A_8 = arith.index_cast %mul3A_2 : i32 to index
    %get3A_9 = arith.constant 0 : index
    %get3A_10 = vector.load %arg9[%get3A_8, %get3A_9] : memref<64x512xf32, #tpu.memory_space<vmem>>, vector<8x512xf32>
    %broadcast_in_dim3A = vector.shape_cast %get3A_10 : vector<8x512xf32> to vector<8x1x512xf32>
    %broadcast_in_dim3A_11 = vector.shape_cast %broadcast_in_dim3A : vector<8x1x512xf32> to vector<8x1x512xf32>
    %broadcast_in_dim3A_12 = vector.broadcast %broadcast_in_dim3A_11 : vector<8x1x512xf32> to vector<8x256x512xf32>
    %slice3A = vector.extract_strided_slice %get3A_4 {offsets = [0, 0], sizes = [8, 256], strides = [1, 1]} : vector<8x1280xf32> to vector<8x256xf32>
    %broadcast_in_dim3A_13 = vector.shape_cast %slice3A : vector<8x256xf32> to vector<8x256x1xf32>
    %slice3A_14 = vector.extract_strided_slice %get3A_7 {offsets = [0, 0], sizes = [1, 512], strides = [1, 1]} : vector<5x512xf32> to vector<1x512xf32>
    %squeeze3A = vector.shape_cast %slice3A_14 : vector<1x512xf32> to vector<512xf32>
    %broadcast_in_dim3A_15 = vector.shape_cast %squeeze3A : vector<512xf32> to vector<1x1x512xf32>
    %mul3A_16 = vector.broadcast %broadcast_in_dim3A_13 : vector<8x256x1xf32> to vector<8x256x512xf32>
    %mul3A_17 = vector.broadcast %broadcast_in_dim3A_15 : vector<1x1x512xf32> to vector<8x256x512xf32>
    %mul3A_18 = arith.mulf %mul3A_16, %mul3A_17 : vector<8x256x512xf32>
    %add3A = arith.addf %broadcast_in_dim3A_12, %mul3A_18 : vector<8x256x512xf32>
    %slice3A_19 = vector.extract_strided_slice %get3A_4 {offsets = [0, 256], sizes = [8, 256], strides = [1, 1]} : vector<8x1280xf32> to vector<8x256xf32>
    %broadcast_in_dim3A_20 = vector.shape_cast %slice3A_19 : vector<8x256xf32> to vector<8x256x1xf32>
    %slice3A_21 = vector.extract_strided_slice %get3A_7 {offsets = [1, 0], sizes = [1, 512], strides = [1, 1]} : vector<5x512xf32> to vector<1x512xf32>
    %squeeze3A_22 = vector.shape_cast %slice3A_21 : vector<1x512xf32> to vector<512xf32>
    %broadcast_in_dim3A_23 = vector.shape_cast %squeeze3A_22 : vector<512xf32> to vector<1x1x512xf32>
    %mul3A_24 = vector.broadcast %broadcast_in_dim3A_20 : vector<8x256x1xf32> to vector<8x256x512xf32>
    %mul3A_25 = vector.broadcast %broadcast_in_dim3A_23 : vector<1x1x512xf32> to vector<8x256x512xf32>
    %mul3A_26 = arith.mulf %mul3A_24, %mul3A_25 : vector<8x256x512xf32>
    %add3A_27 = arith.addf %add3A, %mul3A_26 : vector<8x256x512xf32>
    %slice3A_28 = vector.extract_strided_slice %get3A_4 {offsets = [0, 512], sizes = [8, 256], strides = [1, 1]} : vector<8x1280xf32> to vector<8x256xf32>
    %broadcast_in_dim3A_29 = vector.shape_cast %slice3A_28 : vector<8x256xf32> to vector<8x256x1xf32>
    %slice3A_30 = vector.extract_strided_slice %get3A_7 {offsets = [2, 0], sizes = [1, 512], strides = [1, 1]} : vector<5x512xf32> to vector<1x512xf32>
    %squeeze3A_31 = vector.shape_cast %slice3A_30 : vector<1x512xf32> to vector<512xf32>
    %broadcast_in_dim3A_32 = vector.shape_cast %squeeze3A_31 : vector<512xf32> to vector<1x1x512xf32>
    %mul3A_33 = vector.broadcast %broadcast_in_dim3A_29 : vector<8x256x1xf32> to vector<8x256x512xf32>
    %mul3A_34 = vector.broadcast %broadcast_in_dim3A_32 : vector<1x1x512xf32> to vector<8x256x512xf32>
    %mul3A_35 = arith.mulf %mul3A_33, %mul3A_34 : vector<8x256x512xf32>
    %add3A_36 = arith.addf %add3A_27, %mul3A_35 : vector<8x256x512xf32>
    %slice3A_37 = vector.extract_strided_slice %get3A_4 {offsets = [0, 768], sizes = [8, 256], strides = [1, 1]} : vector<8x1280xf32> to vector<8x256xf32>
    %broadcast_in_dim3A_38 = vector.shape_cast %slice3A_37 : vector<8x256xf32> to vector<8x256x1xf32>
    %slice3A_39 = vector.extract_strided_slice %get3A_7 {offsets = [3, 0], sizes = [1, 512], strides = [1, 1]} : vector<5x512xf32> to vector<1x512xf32>
    %squeeze3A_40 = vector.shape_cast %slice3A_39 : vector<1x512xf32> to vector<512xf32>
    %broadcast_in_dim3A_41 = vector.shape_cast %squeeze3A_40 : vector<512xf32> to vector<1x1x512xf32>
    %mul3A_42 = vector.broadcast %broadcast_in_dim3A_38 : vector<8x256x1xf32> to vector<8x256x512xf32>
    %mul3A_43 = vector.broadcast %broadcast_in_dim3A_41 : vector<1x1x512xf32> to vector<8x256x512xf32>
    %mul3A_44 = arith.mulf %mul3A_42, %mul3A_43 : vector<8x256x512xf32>
    %add3A_45 = arith.addf %add3A_36, %mul3A_44 : vector<8x256x512xf32>
    %slice3A_46 = vector.extract_strided_slice %get3A_4 {offsets = [0, 1024], sizes = [8, 256], strides = [1, 1]} : vector<8x1280xf32> to vector<8x256xf32>
    %broadcast_in_dim3A_47 = vector.shape_cast %slice3A_46 : vector<8x256xf32> to vector<8x256x1xf32>
    %slice3A_48 = vector.extract_strided_slice %get3A_7 {offsets = [4, 0], sizes = [1, 512], strides = [1, 1]} : vector<5x512xf32> to vector<1x512xf32>
    %squeeze3A_49 = vector.shape_cast %slice3A_48 : vector<1x512xf32> to vector<512xf32>
    %broadcast_in_dim3A_50 = vector.shape_cast %squeeze3A_49 : vector<512xf32> to vector<1x1x512xf32>
    %mul3A_51 = vector.broadcast %broadcast_in_dim3A_47 : vector<8x256x1xf32> to vector<8x256x512xf32>
    %mul3A_52 = vector.broadcast %broadcast_in_dim3A_50 : vector<1x1x512xf32> to vector<8x256x512xf32>
    %mul3A_53 = arith.mulf %mul3A_51, %mul3A_52 : vector<8x256x512xf32>
    %add3A_54 = arith.addf %add3A_45, %mul3A_53 : vector<8x256x512xf32>
    %swap3A = arith.constant 0 : index
    %swap3A_55 = arith.constant 0 : index
    %swap3A_56 = arith.constant 0 : index
    %swap3A_57 = vector.load %arg8[%swap3A, %swap3A_55, %swap3A_56] : memref<8x256x512xf32, #tpu.memory_space<vmem>>, vector<8x256x512xf32>
    tpu.vector_store %arg8[%swap3A, %swap3A_55, %swap3A_56], %add3A_54 {strides = array<i32>} : memref<8x256x512xf32, #tpu.memory_space<vmem>>, vector<8x256x512xf32>,
    return
  }
  func.func @transform_0(%arg0: i32) -> (i32, i32) {
    %c0_i32 = arith.constant 0 : i32
    %c0_i32_0 = arith.constant 0 : i32
    %c0_i32_1 = arith.constant 0 : i32
    return %c0_i32, %c0_i32_0 : i32, i32
  }
  func.func @transform_1(%arg0: i32) -> (i32, i32) {
    %c0_i32 = arith.constant 0 : i32
    %c0_i32_0 = arith.constant 0 : i32
    %c0_i32_1 = arith.constant 0 : i32
    return %c0_i32, %c0_i32_0 : i32, i32
  }
  func.func @transform_2(%arg0: i32) -> (i32, i32) {
    %c0_i32 = arith.constant 0 : i32
    %c0_i32_0 = arith.constant 0 : i32
    %c0_i32_1 = arith.constant 0 : i32
    return %c0_i32, %c0_i32_0 : i32, i32
  }
  func.func @transform_3(%arg0: i32) -> (i32, i32) {
    %c0_i32 = arith.constant 0 : i32
    %c0_i32_0 = arith.constant 0 : i32
    %c0_i32_1 = arith.constant 0 : i32
    return %c0_i32, %c0_i32_0 : i32, i32
  }
  func.func @transform_4(%arg0: i32) -> (i32, i32) {
    %c0_i32 = arith.constant 0 : i32
    %c0_i32_0 = arith.constant 0 : i32
    %c0_i32_1 = arith.constant 0 : i32
    return %c0_i32, %c0_i32_0 : i32, i32
  }
  func.func @transform_5(%arg0: i32) -> (i32, i32) {
    %c0_i32 = arith.constant 0 : i32
    %c0_i32_0 = arith.constant 0 : i32
    %c0_i32_1 = arith.constant 0 : i32
    return %c0_i32, %c0_i32_0 : i32, i32
  }
  func.func @transform_6(%arg0: i32) -> (i32, i32) {
    %c0_i32 = arith.constant 0 : i32
    %c0_i32_0 = arith.constant 0 : i32
    %c0_i32_1 = arith.constant 0 : i32
    return %c0_i32, %c0_i32_0 : i32, i32
  }
  func.func @transform_7(%arg0: i32) -> (i32, i32, i32) {
    %c0_i32 = arith.constant 0 : i32
    %c0_i32_0 = arith.constant 0 : i32
    %c0_i32_1 = arith.constant 0 : i32
    return %arg0, %c0_i32, %c0_i32_0 : i32, i32, i32
  }
}

</mosaic_0001>

<sc_bundles>
// kernel: _run.4.cloned.1.call-start
scs
__scs_entry_jumppad:
0x0: {  	(pc) =	sbr.rel $0x88, $3  }
0x1: {  	(tag) =	ssettag $0x0;
	lr =	simm.s32 $0x1  }
0x2: {  	[smem:$0x3F99] =	sst lr;
	_ =	strace $0xD0000000  }
0x3: {  	_ = 	snop  }
0x4: {  	_ = 	snop  }
0x5: {  	_ = 	snop  }
0x6: {  	_ = 	snop  }
0x7: {  	_ = 	snop  }
__scs_overlays_trampoline_lowered:
0x8: {  	[smem:$0x3FA8] =	sst s0  }
0x9: {  	[smem:$0x3FA9] =	sst s1  }
0xa: {  	[smem:$0x3FAA] =	sst s2  }
0xb: {  	[smem:$0x3FAB] =	sst s3  }
0xc: {  	[smem:$0x3FAC] =	sst s4  }
0xd: {  	[smem:$0x3FAD] =	sst s5  }
0xe: {  	[smem:$0x3FAE] =	sst s6  }
0xf: {  	[smem:$0x3FAF] =	sst s7  }
0x10: {  	[smem:$0x3FB0] =	sst s8  }
0x11: {  	[smem:$0x3FB1] =	sst s9;
	s0 =	simm.s32 @!p0 $0x0  }
0x12: {  	s1 =	sld [smem:$0x3F97];
	s0 =	simm.s32 @p0 $0x1  }
0x13: {  	[smem:$0x3FB2] =	sst s0;
	s0 =	simm.s32 @!p1 $0x0  }
0x14: {  	s2 =	sld [smem:$0x3F96];
	s0 =	simm.s32 @p1 $0x1  }
0x15: {  	[smem:$0x3FB3] =	sst s0;
	s0 =	simm.s32 @!p2 $0x0  }
0x16: {  	s3 =	sld [smem:$0x3FDB];
	s0 =	simm.s32 @p2 $0x1  }
0x17: {  	s4 =	simm.s32 $0x1BF5;
	[smem:$0x3FB5] =	sst s0  }
0x18: {  	s0 =	sld [smem:$0x3F98];
	_ =	swait.ge [sflag:s4], $0x0  }
0x19: {  	s7 =	sld [smem:$0x3F99]  }
0x1a: {  	s8 =	sadd.s32 $0xFFFFE003, lr  }
0x1b: {  	s9 =	sadd.s32 $0xFFFFFEF7, lr;
	s5 =	simm.s32 $0xFFFFFFFF;
	p2 =	slt.u32 s8, $0xFFFFF086  }
0x1c: {  	p1 =	slt.u32 s9, $0xF7A;
	s5 =	simm.s32 @!p2 $0x0  }
0x1d: {  	s5 =	simm.s32 @p1 $0x1;
	p0 =	seq.s32 s7, s2  }
0x1e: {  	s7 =	smul.u32 @!p0 $0xF7A, s2;
	p2 =	seq.s32 @!p0 s5, $0x0  }
0x1f: {  	s9 =	smul.u32 $0xF7A, s1;
	s8 =	simm.s32 @!p0 $0x1BF5;
	p2 =	por !p2, p0  }
0x20: {  	[sflag:s8] =	ssyncset.s32 @!p0 $0xFFFFF086;
	s6 =	sadd.s32 @!p0 s3, s7;
	s7 =	simm.s32 @!p0 $0x108  }
0x21: {  	s3 =	sadd.s32 s3, s9;
	s6 =	sadd.s32 @!p0 $0x88, s6;
	s7 =	simm.s32 @p2 $0x1082  }
0x22: {  	[simem:s7], [sflag:s8] =	dma.local @!p0 [hbm:s6], $0xF7A  }
0x23: {  	s9 =	sor.u32 $0xD0000000, s2;
	s6 =	simm.s32 $0x108;
	_ =	swait.ge @!p0 [sflag:s8], $0x0  }
0x24: {  	s3 =	sadd.s32 $0x88, s3;
	s6 =	simm.s32 @!p1 $0x1082;
	[sflag:s4] =	ssyncset.s32 $0xFFFFF086  }
0x25: {  	[simem:s6], [sflag:s4] =	dma.local [hbm:s3], $0xF7A  }
0x26: {  	[smem:$0x3F99] =	sst s1;
	(tag) =	ssettag s2;
	_ =	strace s9  }
0x27: {  	s1 =	sld [smem:$0x3FA9]  }
0x28: {  	s2 =	sld [smem:$0x3FAA]  }
0x29: {  	s4 =	sld [smem:$0x3FAC]  }
0x2a: {  	p0 =	seq.s32 s5, $0x0;
	s5 =	sld [smem:$0x3FAD]  }
0x2b: {  	s6 =	sld [smem:$0x3FAE]  }
0x2c: {  	s7 =	sld [smem:$0x3FAF]  }
0x2d: {  	s3 =	simm.s32 $0x108;
	s8 =	sld [smem:$0x3FB0]  }
0x2e: {  	s3 =	simm.s32 @!p0 $0x1082;
	s9 =	sld [smem:$0x3FB1]  }
0x2f: {  	lr =	sadd.s32 s0, s3;
	s0 =	sld [smem:$0x3FA8]  }
0x30: {  	s3 =	sld [smem:$0x3FAB]  }
0x31: {  	[smem:$0x3FB4] =	sst s10  }
0x32: {  	s10 =	sld [smem:$0x3FB2];
	_ =	sdelay $0x3  }
0x33: {  	p0 =	seq.s32 s10, $0x1;
	s10 =	sld [smem:$0x3FB4];
	_ =	sdelay $0x3  }
0x34: {  	[smem:$0x3FB4] =	sst s10  }
0x35: {  	s10 =	sld [smem:$0x3FB3];
	_ =	sdelay $0x3  }
0x36: {  	p1 =	seq.s32 s10, $0x1;
	s10 =	sld [smem:$0x3FB4];
	_ =	sdelay $0x3  }
0x37: {  	[smem:$0x3FB4] =	sst s10  }
0x38: {  	s10 =	sld [smem:$0x3FB5]  }
0x39: {  	_ = 	snop;
	(pc) =	sbr.ind lr, $3  }
0x3a: {  	_ = 	snop  }
0x3b: {  	_ = 	snop  }
0x3c: {  	p2 =	seq.s32 s10, $0x1;
	s10 =	sld [smem:$0x3FB4]  }
0x3d: {  	_ =	shalt  }
0x3e: {  	_ =	shalt  }
0x3f: {  	_ =	shalt  }
0x40: {  	_ =	shalt  }
0x41: {  	_ =	shalt  }
0x42: {  	_ =	shalt  }
0x43: {  	_ =	shalt  }
0x44: {  	_ =	shalt  }
0x45: {  	_ =	shalt  }
0x46: {  	_ =	shalt  }
0x47: {  	_ =	shalt  }
0x48: {  	_ =	shalt  }
0x49: {  	_ =	shalt  }
0x4a: {  	_ =	shalt  }
0x4b: {  	_ =	shalt  }
0x4c: {  	_ =	shalt  }
0x4d: {  	_ =	shalt  }
0x4e: {  	_ =	shalt  }
0x4f: {  	_ =	shalt  }
0x50: {  	_ =	shalt  }
0x51: {  	_ =	shalt  }
0x52: {  	_ =	shalt  }
0x53: {  	_ =	shalt  }
0x54: {  	_ =	shalt  }
0x55: {  	_ =	shalt  }
0x56: {  	_ =	shalt  }
0x57: {  	_ =	shalt  }
0x58: {  	_ =	shalt  }
0x59: {  	_ =	shalt  }
0x5a: {  	_ =	shalt  }
0x5b: {  	_ =	shalt  }
0x5c: {  	_ =	shalt  }
0x5d: {  	_ =	shalt  }
0x5e: {  	_ =	shalt  }
0x5f: {  	_ =	shalt  }
0x60: {  	_ =	shalt  }
0x61: {  	_ =	shalt  }
0x62: {  	_ =	shalt  }
0x63: {  	_ =	shalt  }
0x64: {  	_ =	shalt  }
0x65: {  	_ =	shalt  }
0x66: {  	_ =	shalt  }
0x67: {  	_ =	shalt  }
0x68: {  	_ =	shalt  }
0x69: {  	_ =	shalt  }
0x6a: {  	_ =	shalt  }
0x6b: {  	_ =	shalt  }
0x6c: {  	_ =	shalt  }
0x6d: {  	_ =	shalt  }
0x6e: {  	_ =	shalt  }
0x6f: {  	_ =	shalt  }
0x70: {  	_ =	shalt  }
0x71: {  	_ =	shalt  }
0x72: {  	_ =	shalt  }
0x73: {  	_ =	shalt  }
0x74: {  	_ =	shalt  }
0x75: {  	_ =	shalt  }
0x76: {  	_ =	shalt  }
0x77: {  	_ =	shalt  }
0x78: {  	_ =	shalt  }
0x79: {  	_ =	shalt  }
0x7a: {  	_ =	shalt  }
0x7b: {  	_ =	shalt  }
0x7c: {  	_ =	shalt  }
0x7d: {  	_ =	shalt  }
0x7e: {  	_ =	shalt  }
0x7f: {  	_ =	shalt  }
0x80: {  	_ =	shalt  }
0x81: {  	_ =	shalt  }
0x82: {  	_ =	shalt  }
0x83: {  	_ =	shalt  }
0x84: {  	_ =	shalt  }
0x85: {  	_ =	shalt  }
0x86: {  	_ =	shalt  }
0x87: {  	_ =	shalt  }
.Lfunc_end0:
.L_simem_size_0:
called_computation_lowered:
.L_overlay_start_0:
0x88: {  	s2 =	sld [smem:$0x3FD9]  }
0x89: {  	s3 =	sld [smem:$0x3FFE];
	_ =	sdelay $0x1  }
0x8a: {  	s1 =	srdreg.scid  }
0x8b: {  	s0 =	sand.u32 $0x1, s1  }
0x8c: {  	s14 =	sshll.u32 s0, $0xA;
	s2 =	sadd.s32 s3, s2  }
0x8d: {  	s2 =	sadd.s32 s2, s14  }
0x8e: {  	[smem:$0x3FC0] =	sst s2  }
0x8f: {  	_ = 	snop  }
0x90: {  	s2 =	sld [smem:$0x3FD0];
	_ =	sdelay $0x2  }
0x91: {  	s4 =	simm.s32 $0xA;
	s5 =	simm.s32 $0x10;
	s15 =	sld [smem:$0x3FC7]  }
0x92: {  	[smem:s5], [sflag:s4] =	dma.local [hbm:s2], $0x1  }
0x93: {  	_ =	swait.eq [sflag:s4], $0x1  }
0x94: {  	[sflag:s4] =	ssyncset.done $0x0  }
0x95: {  	[sflag:s4] =	ssyncadd.s32 $0xFFFFFFFF  }
0x96: {  	s16 =	sld [smem:$0x11];
	(tm) =	ssettm $0x1  }
0x97: {  	s17 =	sld [smem:$0x3FFB];
	_ =	sdelay $0x3  }
0x98: {  	_ =	strace s17  }
0x99: {  	s4 =	sld [smem:$0x3FFC];
	_ =	sdelay $0x3  }
0x9a: {  	_ =	strace s4  }
0x9b: {  	s4 =	sld [smem:$0x3FFD];
	_ =	sdelay $0x3  }
0x9c: {  	_ =	strace s4  }
0x9d: {  	_ =	strace $0x8FFFFFFF  }
0x9e: {  	s18 =	sld [smem:$0x3FDB];
	_ =	sdelay $0x1  }
0x9f: {  	s19 =	simm.s32 $_scs_section_size  }
0xa0: {  	s6 =	simm.s32 $_size__tile_overlayer_lowered;
	s7 =	simm.s32 $_tile_overlayer_lowered  }
0xa1: {  	s22 =	simm.s32 $0x1BFF;
	s21 =	sshll.u32 s7, $0x1;
	s4 =	sadd.s32 s19, s18  }
0xa2: {  	s8 =	simm.s32 $0x0;
	s20 =	sshll.u32 s6, $0x1;
	s6 =	sadd.s32 s21, s4  }
0xa3: {  	[timem:s8], [sflag:s22] =	dma.local [hbm:s6], s20  }
0xa4: {  	_ =	swait.ge [sflag:s22], s20  }
0xa5: {  	s5 =	ssub.s32 $0x0, s20;
	[sflag:s22] =	ssyncset.done $0x0  }
0xa6: {  	[sflag:s22] =	ssyncadd.s32 s5;
	_ =	sdelay $0x1  }
0xa7: {  	s23 =	simm.s32 $0x1B8B  }
0xa8: {  	_ =	swait.ge [sflag:s23], $0x1  }
0xa9: {  	[sflag:s23] =	ssyncset.done $0x0  }
0xaa: {  	s25 =	simm.s32 $0x1B8E;
	s24 =	sld [smem:$0x3FFE];
	[sflag:s23] =	ssyncadd.s32 $0xFFFFFFFF  }
0xab: {  	s26 =	simm.s32 $execute0_lowered;
	[smem:$0x3FD2] =	sst s25  }
0xac: {  	s6 =	sshll.u32 s26, $0x1;
	_ =	strace $0x80000046;
	[dreg:$0x1] =	wrdreg $0xFFFFFFFF  }
0xad: {  	s28 =	simm.s32 $_size_execute0_lowered;
	s4 =	sadd.s32 s4, s6;
	[dreg:$0x0] =	wrdreg $0x0  }
0xae: {  	s6 =	sshll.u32 s28, $0x1;
	[dreg:$0x2] =	wrdreg s4  }
0xaf: {  	[dreg:$0x3] =	wrdreg s6  }
0xb0: {  	[dreg:$0x4] =	wrdreg $0xC0  }
0xb1: {  	_ =	task [dreg:s8], $0x5FFFF  }
0xb2: {  	[dreg:$0x1] =	wrdreg $0xFFFFFFFF  }
0xb3: {  	[dreg:$0x0] =	wrdreg $0x60  }
0xb4: {  	[dreg:$0x2] =	wrdreg s15  }
0xb5: {  	[dreg:$0x3] =	wrdreg s24  }
0xb6: {  	[dreg:$0x4] =	wrdreg s16  }
0xb7: {  	[dreg:$0x5] =	wrdreg $0x9  }
0xb8: {  	_ =	task.clear_ibuf [dreg:s8], $0x6FFFF;
	_ =	strace $0x90000046  }
0xb9: {  	s29 =	simm.s32 $0x9;
	_ =	strace $0x80000048  }
0xba: {  	_ =	swait.ge [sflag:s29], $0x1  }
0xbb: {  	[sflag:s29] =	ssyncadd.s32 $0xFFFFFFFF  }
0xbc: {  	_ =	strace $0x90000048  }
0xbd: {  	_ =	sfence  }
0xbe: {  	s30 =	sld [smem:$0x0];
	_ =	sdelay $0x2  }
0xbf: {  	s31 =	sshll.u32 s1, $0xD;
	s1 =	sshrl.u32 s1, $0x2  }
0xc0: {  	s3 =	sand.u32 $0x4000, s31;
	s1 =	sadd.s32 s1, s30  }
0xc1: {  	s0 =	sor.u32 s3, s0;
	s1 =	sshll.u32 s1, $0x11  }
0xc2: {  	s0 =	sor.u32 s1, s0  }
0xc3: {  	s0 =	sadd.s32 $0x8F2B, s0  }
0xc4: {  	[sflag:s0] =	ssyncadd.remote.s32 $0x1  }
0xc5: {  	_ =	sfence.sel $0xFFFF  }
0xc6: {  	[dreg:$0x0] =	wrdreg $0xFFFFFFFF;
	(pc) =	sbr.abs _section_cstart, $3  }
0xc7: {  	[dreg:$0x1] =	wrdreg $0xFFFFFFFF  }
0xc8: {  	_ =	task.clear_ibuf [dreg:s8], $0x2FFFF;
	_ =	strace $0x9FFFFFFF  }
0xc9: {  	(tm) =	ssettm $0x7FFFFFFF  }
tec
execute0_lowered:
.L_overlay_start_1:
0x0: {  	(tag) =	ssettag $0x1  }
0x1: {  	v0 =	vimm.s32 $0xEFCDAB89  }
0x2: {  	s7 =	rddreg [dreg:$0x0];
	v1 =	vimm.s32 $0x67452301;
	v2 =	vimm.s32 $0xDCFE98BA;
	v3 =	vimm.s32 $0x54761032  }
0x3: {  	s4 =	rddreg [dreg:$0x1];
	v4 =	vimm.s32 $0xBA98FEDC;
	v5 =	vimm.s32 $0x32107654;
	v6 =	vimm.s32 $0xFEDCBA98  }
0x4: {  	s9 =	rddreg [dreg:$0x2];
	v7 =	vimm.s32 $0x76543210;
	v0 =	vunpack.c.l.s4.s8 v0;
	v1 =	vunpack.c.l.s4.s8 v1  }
0x5: {  	s0 =	rddreg [dreg:$0x3];
	v2 =	vunpack.c.l.s4.s8 v2;
	v3 =	vunpack.c.l.s4.s8 v3;
	v4 =	vunpack.c.l.s4.s8 v4  }
0x6: {  	s1 =	simm.s32 $0x0;
	s5 =	srdreg.scid;
	s2 =	stileid.u32;
	v5 =	vunpack.c.l.s4.s8 v5;
	v6 =	vunpack.c.l.s4.s8 v6;
	v0 =	vunpack.c.0.s8.s32 v0  }
0x7: {  	s15 =	simm.s32 $0x100;
	s16 =	simm.s32 $0x900;
	s17 =	simm.s32 $0x1;
	v1 =	vunpack.c.0.s8.s32 v1;
	v2 =	vunpack.c.0.s8.s32 v2;
	v3 =	vunpack.c.0.s8.s32 v3  }
0x8: {  	s18 =	simm.s32 $0x1100;
	[smem:$0x7FF] =	sst s1;
	s3 =	sadd.s32 $0x1000, s4;
	v7 =	vunpack.c.l.s4.s8 v7;
	v4 =	vunpack.c.0.s8.s32 v4;
	v5 =	vunpack.c.0.s8.s32 v5  }
0x9: {  	s8 =	sadd.s32 $0x3000, s4;
	s26 =	sand.u32 $0x1, s5;
	s28 =	sshll.u32 s2, $0x9;
	v0 =	vcombine.low v1, v0;
	v1 =	vcombine.low v3, v2;
	v2 =	vunpack.c.0.s8.s32 v6  }
0xa: {  	s10 =	sshrl.u32 s2, $0x1;
	_ =	strace $0x80000047;
	s6 =	sshll.u32 s26, $0x8;
	v3 =	vcombine.low v5, v4;
	v4 =	vunpack.c.0.s8.s32 v7  }
0xb: {  	vm0 =	vmmov $0xffff;
	v23 =	vimm.f32 $1.000000000e+00;
	s5 =	sand.u32 $0x200, s28;
	s4 =	ssub.s32 $0x2, s26;
	s11 =	sshll.u32 s10, $0xB;
	v5 =	vand.u32 $0xF, v2  }
0xc: {  	s10 =	sshll.u32 s10, $0xA;
	s5 =	sor.u32 s6, s5;
	s29 =	sshrl.u32 s4, $0x1;
	v2 =	vand.u32 $0xF, v3;
	v3 =	vcombine.low v5, v4;
	v4 =	vlaneseq.u32  }
0xd: {  	s12 =	sor.u32 s11, s5;
	s13 =	ssub.s32 s4, s29;
	s31 =	sor.u32 s10, s5;
	v0 =	vand.u32 $0xF, v0;
	v1 =	vand.u32 $0xF, v1;
	v5 =	vor.u32 $0xF0, v4  }
0xe: {  	s14 =	sor.u32 $0x80, s5;
	s30 =	sshrl.u32 s12, $0x3;
	s12 =	sshrl.u32 s31, $0x3;
	v6 =	vor.u32 $0xE0, v4;
	v7 =	vor.u32 $0xD0, v4;
	v8 =	vor.u32 $0xC0, v4  }
0xf: {  	s11 =	sor.u32 s11, s14;
	s10 =	sor.u32 s10, s14;
	s14 =	simm.s32 $0x1280;
	v9 =	vor.u32 $0xB0, v4;
	v10 =	vor.u32 $0xA0, v4;
	v11 =	vor.u32 $0x90, v4  }
0x10: {  	s4 =	sadd.s32 s7, s30;
	s5 =	sadd.s32 s8, s12;
	s6 =	sadd.s32 s9, s30;
	v12 =	vor.u32 $0x80, v4;
	v13 =	vor.u32 $0x70, v4;
	v14 =	vor.u32 $0x60, v4  }
0x11: {  	s11 =	sshrl.u32 s11, $0x3;
	s10 =	sshrl.u32 s10, $0x3;
	s12 =	simm.s32 $0x400;
	v15 =	vor.u32 $0x50, v4;
	v16 =	vor.u32 $0x40, v4;
	v17 =	vor.u32 $0x30, v4  }
0x12: {  	s7 =	sadd.s32 s7, s11;
	s8 =	sadd.s32 s8, s10;
	s9 =	sadd.s32 s9, s11;
	v18 =	vor.u32 $0x20, v4;
	v21 =	vshrl.u32 v4, $0x3;
	v19 =	vor.u32 $0x10, v4  }
0x13: {  	s10 =	smax.u32 s13, $0x1;
	s11 =	simm.s32 $0x80;
	s13 =	simm.s32 $0x2;
	v20 =	vand.u32 $0x7, v4;
	v22 =	vor.u32 $0x8, v4;
	v21 =	vmul.u32 $0x8, v21  }
.LBB2_1:
0x14: {  	[tilespmem:s1], [sflag:$0x2] =	stream.strided.gather [hbm4b:s4+s11], $0x100, s12, s11, $0x38;
	[tilespmem:$0x1300] =	vst v63  }
0x15: {  	_ =	swait.ge [sflag:s13], $0x100  }
0x16: {  	[sflag:s13] =	ssyncset.done $0x0  }
0x17: {  	[sflag:s13] =	ssyncadd.s32 $0xFFFFFF00  }
0x18: {  	v24 =	vld [tilespmem:$0x0]  }
0x19: {  	v25 =	vld [tilespmem:$0x10]  }
0x1a: {  	v26 =	vld [tilespmem:$0x20]  }
0x1b: {  	v27 =	vld [tilespmem:$0x30]  }
0x1c: {  	v28 =	vld [tilespmem:$0x40]  }
0x1d: {  	v29 =	vld [tilespmem:$0x50]  }
0x1e: {  	v31 =	vld [tilespmem:$0x60];
	v30 =	vmax.f32 v24, v25  }
0x1f: {  	v32 =	vld [tilespmem:$0x70];
	v30 =	vmax.f32 v30, v26  }
0x20: {  	v33 =	vld [tilespmem:$0x80];
	v30 =	vmax.f32 v30, v27  }
0x21: {  	v34 =	vld [tilespmem:$0x90];
	v30 =	vmax.f32 v30, v28  }
0x22: {  	v35 =	vld [tilespmem:$0xA0];
	v30 =	vmax.f32 v30, v29  }
0x23: {  	v36 =	vld [tilespmem:$0xB0];
	v30 =	vmax.f32 v30, v31  }
0x24: {  	v37 =	vld [tilespmem:$0xC0];
	v30 =	vmax.f32 v30, v32  }
0x25: {  	v38 =	vld [tilespmem:$0xD0];
	v30 =	vmax.f32 v30, v33  }
0x26: {  	v39 =	vld [tilespmem:$0xE0];
	v30 =	vmax.f32 v30, v34  }
0x27: {  	v40 =	vld [tilespmem:$0xF0];
	v30 =	vmax.f32 v30, v35  }
0x28: {  	v30 =	vmax.f32 v30, v36  }
0x29: {  	v30 =	vmax.f32 v30, v37  }
0x2a: {  	v30 =	vmax.f32 v30, v38  }
0x2b: {  	v30 =	vmax.f32 v30, v39  }
0x2c: {  	v30 =	vmax.f32 v30, v40  }
0x2d: {  	v41 =	vperm.xlane v30, v0;
	_ =	sdelay $0x1  }
0x2e: {  	v30 =	vmax.f32 v30, v41  }
0x2f: {  	v41 =	vperm.xlane v30, v1;
	_ =	sdelay $0x1  }
0x30: {  	v30 =	vmax.f32 v30, v41  }
0x31: {  	v41 =	vperm.xlane v30, v2;
	_ =	sdelay $0x1  }
0x32: {  	v30 =	vmax.f32 v30, v41  }
0x33: {  	v41 =	vperm.xlane v30, v3;
	_ =	sdelay $0x1  }
0x34: {  	v30 =	vmax.f32 v30, v41  }
0x35: {  	vm1 =	veq.f32 v40, v30  }
0x36: {  	v40 =	vnsel vm1, $0x100, v5;
	vm1 =	veq.f32 v39, v30  }
0x37: {  	v39 =	vsel vm1, v6, v40;
	vm1 =	veq.f32 v38, v30  }
0x38: {  	v38 =	vsel vm1, v7, v39;
	vm1 =	veq.f32 v37, v30  }
0x39: {  	v37 =	vsel vm1, v8, v38;
	vm1 =	veq.f32 v36, v30  }
0x3a: {  	v36 =	vsel vm1, v9, v37;
	vm1 =	veq.f32 v35, v30  }
0x3b: {  	v35 =	vsel vm1, v10, v36;
	vm1 =	veq.f32 v34, v30  }
0x3c: {  	v34 =	vsel vm1, v11, v35;
	vm1 =	veq.f32 v33, v30  }
0x3d: {  	v33 =	vsel vm1, v12, v34;
	vm1 =	veq.f32 v32, v30  }
0x3e: {  	v32 =	vsel vm1, v13, v33;
	vm1 =	veq.f32 v31, v30  }
0x3f: {  	v31 =	vsel vm1, v14, v32;
	vm1 =	veq.f32 v29, v30  }
0x40: {  	v29 =	vsel vm1, v15, v31;
	vm1 =	veq.f32 v28, v30  }
0x41: {  	v28 =	vsel vm1, v16, v29;
	vm1 =	veq.f32 v27, v30  }
0x42: {  	v27 =	vsel vm1, v17, v28;
	vm1 =	veq.f32 v26, v30  }
0x43: {  	v26 =	vsel vm1, v18, v27;
	vm1 =	veq.f32 v25, v30  }
0x44: {  	v25 =	vsel vm1, v19, v26;
	vm1 =	veq.f32 v24, v30  }
0x45: {  	v24 =	vsel vm1, v4, v25  }
0x46: {  	v25 =	vperm.xlane v24, v0;
	_ =	sdelay $0x1  }
0x47: {  	vm1 =	vlt.s32 v24, v25  }
0x48: {  	v24 =	vsel vm1, v24, v25  }
0x49: {  	v25 =	vperm.xlane v24, v1;
	_ =	sdelay $0x1  }
0x4a: {  	vm1 =	vlt.s32 v24, v25  }
0x4b: {  	v24 =	vsel vm1, v24, v25  }
0x4c: {  	v25 =	vperm.xlane v24, v2;
	_ =	sdelay $0x1  }
0x4d: {  	vm1 =	vlt.s32 v24, v25  }
0x4e: {  	v24 =	vsel vm1, v24, v25  }
0x4f: {  	v25 =	vperm.xlane v24, v3;
	_ =	sdelay $0x1  }
0x50: {  	vm1 =	vlt.s32 v24, v25  }
0x51: {  	v24 =	vsel vm1, v24, v25  }
0x52: {  	v25 =	vshll.u32 v24, $0x1  }
0x53: {  	v37 =	vand.u32 $0x7, v24;
	v25 =	vand.u32 $0xFFFFFFF0, v25  }
0x54: {  	v25 =	vor.u32 v37, v25  }
0x55: {  	v26 =	vperm.xlane v25, v20  }
0x56: {  	[tilespmem:$0x1280] =	vst v24  }
0x57: {  	[hbm4b:s5+s1] =	stream.linear.scatter [tilespmem:s14], [sflag:$0x2], $0x80, $0x38;
	v25 =	vperm.xlane v25, v22;
	v26 =	vadd.s32 v21, v26;
	[tilespmem:$0x1300] =	vst v63  }
0x58: {  	_ =	swait.ge [sflag:s13], $0x80  }
0x59: {  	[sflag:s13] =	ssyncset.done $0x0;
	v25 =	vadd.s32 v21, v25  }
0x5a: {  	[sflag:s13] =	ssyncadd.s32 $0xFFFFFF80  }
0x5b: {  	[tilespmem:$0x1200] =	vst v24  }
0x5c: {  	[tilespmem:s15], [sflag:$0x1] =	stream.indirect_vreg.gather [hbm4b:s3+s1], $0x80, v26, vm0, $0xb8;
	[tilespmem:$0x1300] =	vst v63  }
0x5d: {  	_ = 	snop  }
0x5e: {  	[tilespmem:s16], [sflag:$0x1] =	stream.indirect_vreg.gather [hbm4b:s3+s1], $0x80, v25, vm0, $0xb8;
	[tilespmem:$0x1300] =	vst v63  }
0x5f: {  	_ =	swait.ge [sflag:s17], $0x1000  }
0x60: {  	[sflag:s17] =	ssyncset.done $0x0  }
0x61: {  	[sflag:s17] =	ssyncadd.s32 $0xFFFFF000  }
0x62: {  	v38 =	vld [tilespmem:$0x100]  }
0x63: {  	vm1 =	veq.f32 v30, $0.0e+00;
	v39 =	vld [tilespmem:$0x110]  }
0x64: {  	v26 =	vsel vm1, $0x0, v23;
	v40 =	vld [tilespmem:$0x120]  }
0x65: {  	v41 =	vsub.f32 $1.000000000e+00, v26;
	v42 =	vld [tilespmem:$0x130]  }
0x66: {  	v43 =	vld [tilespmem:$0x140]  }
0x67: {  	v28 =	vmul.f32 $1.000000000e+02, v41;
	v44 =	vld [tilespmem:$0x150];
	v24 =	vmul.f32 v38, v26  }
0x68: {  	v45 =	vld [tilespmem:$0x160];
	v25 =	vmul.f32 v39, v26  }
0x69: {  	v46 =	vld [tilespmem:$0x170];
	v27 =	vmul.f32 v40, v26;
	v24 =	vadd.f32 v24, v28  }
0x6a: {  	v47 =	vld [tilespmem:$0x500];
	v29 =	vmul.f32 v42, v26;
	v25 =	vadd.f32 v25, v28  }
0x6b: {  	v50 =	vld [tilespmem:$0x510];
	v49 =	vmul.f32 v43, v26;
	v48 =	vadd.f32 v27, v28;
	[tilespmem:$0x1100] =	vst v24  }
0x6c: {  	v53 =	vld [tilespmem:$0x520];
	v52 =	vmul.f32 v44, v26;
	v51 =	vadd.f32 v29, v28;
	[tilespmem:$0x1110] =	vst v25  }
0x6d: {  	v56 =	vld [tilespmem:$0x530];
	v55 =	vmul.f32 v45, v26;
	v54 =	vadd.f32 v49, v28;
	[tilespmem:$0x1120] =	vst v48  }
0x6e: {  	v59 =	vld [tilespmem:$0x540];
	v58 =	vmul.f32 v46, v26;
	v57 =	vadd.f32 v52, v28;
	[tilespmem:$0x1130] =	vst v51  }
0x6f: {  	v36 =	vld [tilespmem:$0x560];
	v61 =	vmul.f32 v47, v26;
	v60 =	vadd.f32 v55, v28;
	[tilespmem:$0x1140] =	vst v54  }
0x70: {  	v62 =	vld [tilespmem:$0x550];
	v35 =	vmul.f32 v50, v26;
	v63 =	vadd.f32 v58, v28;
	[tilespmem:$0x1150] =	vst v57  }
0x71: {  	v38 =	vmul.f32 v53, v26;
	v39 =	vld [tilespmem:$0x570];
	v37 =	vadd.f32 v61, v28;
	[tilespmem:$0x1160] =	vst v60  }
0x72: {  	v41 =	vmul.f32 v56, v26;
	v40 =	vadd.f32 v35, v28;
	[tilespmem:$0x1170] =	vst v63  }
0x73: {  	v43 =	vmul.f32 v59, v26;
	v42 =	vadd.f32 v38, v28;
	[tilespmem:$0x1180] =	vst v37  }
0x74: {  	v47 =	vmul.f32 v36, v26;
	v44 =	vadd.f32 v41, v28;
	[tilespmem:$0x1190] =	vst v40  }
0x75: {  	v45 =	vmul.f32 v62, v26;
	v46 =	vadd.f32 v43, v28;
	[tilespmem:$0x11A0] =	vst v42  }
0x76: {  	v49 =	vadd.f32 v47, v28;
	[tilespmem:$0x11B0] =	vst v44;
	v26 =	vmul.f32 v39, v26  }
0x77: {  	v48 =	vadd.f32 v45, v28;
	[tilespmem:$0x11C0] =	vst v46  }
0x78: {  	[tilespmem:$0x11E0] =	vst v49;
	v50 =	vadd.f32 v26, v28  }
0x79: {  	[tilespmem:$0x11D0] =	vst v48  }
0x7a: {  	[tilespmem:$0x11F0] =	vst v50  }
0x7b: {  	[hbm4b:s6+s11] =	stream.strided.scatter [tilespmem:s18], [sflag:$0x2], $0x100, s12, s11, $0x38;
	[tilespmem:$0x1300] =	vst v63  }
0x7c: {  	_ =	swait.ge [sflag:s13], $0x100  }
0x7d: {  	[sflag:s13] =	ssyncset.done $0x0  }
0x7e: {  	[sflag:s13] =	ssyncadd.s32 $0xFFFFFF00  }
0x7f: {  	[tilespmem:s1], [sflag:$0x2] =	stream.strided.gather [hbm4b:s7+s11], $0x100, s12, s11, $0x38;
	[tilespmem:$0x1300] =	vst v63  }
0x80: {  	_ =	swait.ge [sflag:s13], $0x100  }
0x81: {  	[sflag:s13] =	ssyncset.done $0x0  }
0x82: {  	[sflag:s13] =	ssyncadd.s32 $0xFFFFFF00  }
0x83: {  	v51 =	vld [tilespmem:$0x0]  }
0x84: {  	v52 =	vld [tilespmem:$0x10]  }
0x85: {  	v53 =	vld [tilespmem:$0x20]  }
0x86: {  	v54 =	vld [tilespmem:$0x30]  }
0x87: {  	v55 =	vld [tilespmem:$0x40]  }
0x88: {  	v56 =	vld [tilespmem:$0x50]  }
0x89: {  	v58 =	vld [tilespmem:$0x60];
	v57 =	vmax.f32 v51, v52  }
0x8a: {  	v59 =	vld [tilespmem:$0x70];
	v30 =	vmax.f32 v57, v53  }
0x8b: {  	v60 =	vld [tilespmem:$0x80];
	v30 =	vmax.f32 v30, v54  }
0x8c: {  	v61 =	vld [tilespmem:$0x90];
	v30 =	vmax.f32 v30, v55  }
0x8d: {  	v62 =	vld [tilespmem:$0xA0];
	v30 =	vmax.f32 v30, v56  }
0x8e: {  	v63 =	vld [tilespmem:$0xB0];
	v30 =	vmax.f32 v30, v58  }
0x8f: {  	v44 =	vld [tilespmem:$0xC0];
	v30 =	vmax.f32 v30, v59  }
0x90: {  	v45 =	vld [tilespmem:$0xD0];
	v30 =	vmax.f32 v30, v60  }
0x91: {  	v46 =	vld [tilespmem:$0xE0];
	v30 =	vmax.f32 v30, v61  }
0x92: {  	v47 =	vld [tilespmem:$0xF0];
	v30 =	vmax.f32 v30, v62  }
0x93: {  	v30 =	vmax.f32 v30, v63  }
0x94: {  	v30 =	vmax.f32 v30, v44  }
0x95: {  	v30 =	vmax.f32 v30, v45  }
0x96: {  	v30 =	vmax.f32 v30, v46  }
0x97: {  	v30 =	vmax.f32 v30, v47  }
0x98: {  	v48 =	vperm.xlane v30, v0;
	_ =	sdelay $0x1  }
0x99: {  	v30 =	vmax.f32 v30, v48  }
0x9a: {  	v41 =	vperm.xlane v30, v1;
	_ =	sdelay $0x1  }
0x9b: {  	v30 =	vmax.f32 v30, v41  }
0x9c: {  	v41 =	vperm.xlane v30, v2;
	_ =	sdelay $0x1  }
0x9d: {  	v30 =	vmax.f32 v30, v41  }
0x9e: {  	v41 =	vperm.xlane v30, v3;
	_ =	sdelay $0x1  }
0x9f: {  	v30 =	vmax.f32 v30, v41  }
0xa0: {  	vm1 =	veq.f32 v47, v30  }
0xa1: {  	v40 =	vnsel vm1, $0x100, v5;
	vm1 =	veq.f32 v46, v30  }
0xa2: {  	v39 =	vsel vm1, v6, v40;
	vm1 =	veq.f32 v45, v30  }
0xa3: {  	v38 =	vsel vm1, v7, v39;
	vm1 =	veq.f32 v44, v30  }
0xa4: {  	v37 =	vsel vm1, v8, v38;
	vm1 =	veq.f32 v63, v30  }
0xa5: {  	v36 =	vsel vm1, v9, v37;
	vm1 =	veq.f32 v62, v30  }
0xa6: {  	v35 =	vsel vm1, v10, v36;
	vm1 =	veq.f32 v61, v30  }
0xa7: {  	v34 =	vsel vm1, v11, v35;
	vm1 =	veq.f32 v60, v30  }
0xa8: {  	v33 =	vsel vm1, v12, v34;
	vm1 =	veq.f32 v59, v30  }
0xa9: {  	v32 =	vsel vm1, v13, v33;
	vm1 =	veq.f32 v58, v30  }
0xaa: {  	v31 =	vsel vm1, v14, v32;
	vm1 =	veq.f32 v56, v30  }
0xab: {  	v29 =	vsel vm1, v15, v31;
	vm1 =	veq.f32 v55, v30  }
0xac: {  	v28 =	vsel vm1, v16, v29;
	vm1 =	veq.f32 v54, v30  }
0xad: {  	v27 =	vsel vm1, v17, v28;
	vm1 =	veq.f32 v53, v30  }
0xae: {  	v26 =	vsel vm1, v18, v27;
	vm1 =	veq.f32 v52, v30  }
0xaf: {  	v25 =	vsel vm1, v19, v26;
	vm1 =	veq.f32 v51, v30  }
0xb0: {  	v24 =	vsel vm1, v4, v25  }
0xb1: {  	v25 =	vperm.xlane v24, v0;
	_ =	sdelay $0x1  }
0xb2: {  	vm1 =	vlt.s32 v24, v25  }
0xb3: {  	v24 =	vsel vm1, v24, v25  }
0xb4: {  	v25 =	vperm.xlane v24, v1;
	_ =	sdelay $0x1  }
0xb5: {  	vm1 =	vlt.s32 v24, v25  }
0xb6: {  	v24 =	vsel vm1, v24, v25  }
0xb7: {  	v25 =	vperm.xlane v24, v2;
	_ =	sdelay $0x1  }
0xb8: {  	vm1 =	vlt.s32 v24, v25  }
0xb9: {  	v24 =	vsel vm1, v24, v25  }
0xba: {  	v25 =	vperm.xlane v24, v3;
	_ =	sdelay $0x1  }
0xbb: {  	vm1 =	vlt.s32 v24, v25  }
0xbc: {  	v24 =	vsel vm1, v24, v25  }
0xbd: {  	v25 =	vshll.u32 v24, $0x1  }
0xbe: {  	v49 =	vand.u32 $0x7, v24;
	v25 =	vand.u32 $0xFFFFFFF0, v25  }
0xbf: {  	v25 =	vor.u32 v49, v25  }
0xc0: {  	v26 =	vperm.xlane v25, v20  }
0xc1: {  	[tilespmem:$0x1280] =	vst v24  }
0xc2: {  	[hbm4b:s8+s1] =	stream.linear.scatter [tilespmem:s14], [sflag:$0x2], $0x80, $0x38;
	v25 =	vperm.xlane v25, v22;
	v26 =	vadd.s32 v21, v26;
	[tilespmem:$0x1300] =	vst v63  }
0xc3: {  	_ =	swait.ge [sflag:s13], $0x80  }
0xc4: {  	[sflag:s13] =	ssyncset.done $0x0;
	v25 =	vadd.s32 v21, v25  }
0xc5: {  	[sflag:s13] =	ssyncadd.s32 $0xFFFFFF80  }
0xc6: {  	[tilespmem:$0x1200] =	vst v24  }
0xc7: {  	[tilespmem:s15], [sflag:$0x1] =	stream.indirect_vreg.gather [hbm4b:s3+s1], $0x80, v26, vm0, $0xb8;
	[tilespmem:$0x1300] =	vst v63  }
0xc8: {  	_ = 	snop  }
0xc9: {  	[tilespmem:s16], [sflag:$0x1] =	stream.indirect_vreg.gather [hbm4b:s3+s1], $0x80, v25, vm0, $0xb8;
	[tilespmem:$0x1300] =	vst v63  }
0xca: {  	_ =	swait.ge [sflag:s17], $0x1000  }
0xcb: {  	[sflag:s17] =	ssyncset.done $0x0  }
0xcc: {  	[sflag:s17] =	ssyncadd.s32 $0xFFFFF000  }
0xcd: {  	v50 =	vld [tilespmem:$0x100]  }
0xce: {  	vm1 =	veq.f32 v30, $0.0e+00;
	v51 =	vld [tilespmem:$0x110]  }
0xcf: {  	v26 =	vsel vm1, $0x0, v23;
	v52 =	vld [tilespmem:$0x120]  }
0xd0: {  	v53 =	vsub.f32 $1.000000000e+00, v26;
	v54 =	vld [tilespmem:$0x130]  }
0xd1: {  	v55 =	vld [tilespmem:$0x140]  }
0xd2: {  	v28 =	vmul.f32 $1.000000000e+02, v53;
	v56 =	vld [tilespmem:$0x150];
	v24 =	vmul.f32 v50, v26  }
0xd3: {  	v57 =	vld [tilespmem:$0x160];
	v25 =	vmul.f32 v51, v26  }
0xd4: {  	v58 =	vld [tilespmem:$0x170];
	v27 =	vmul.f32 v52, v26;
	v24 =	vadd.f32 v24, v28  }
0xd5: {  	v59 =	vld [tilespmem:$0x500];
	v29 =	vmul.f32 v54, v26;
	v25 =	vadd.f32 v25, v28  }
0xd6: {  	v62 =	vld [tilespmem:$0x510];
	v61 =	vmul.f32 v55, v26;
	v60 =	vadd.f32 v27, v28;
	[tilespmem:$0x1100] =	vst v24  }
0xd7: {  	v37 =	vld [tilespmem:$0x520];
	v36 =	vmul.f32 v56, v26;
	v63 =	vadd.f32 v29, v28;
	[tilespmem:$0x1110] =	vst v25  }
0xd8: {  	v40 =	vld [tilespmem:$0x530];
	v39 =	vmul.f32 v57, v26;
	v38 =	vadd.f32 v61, v28;
	[tilespmem:$0x1120] =	vst v60  }
0xd9: {  	v43 =	vld [tilespmem:$0x540];
	v42 =	vmul.f32 v58, v26;
	v41 =	vadd.f32 v36, v28;
	[tilespmem:$0x1130] =	vst v63  }
0xda: {  	v46 =	vld [tilespmem:$0x550];
	v45 =	vmul.f32 v59, v26;
	v44 =	vadd.f32 v39, v28;
	[tilespmem:$0x1140] =	vst v38  }
0xdb: {  	v49 =	vld [tilespmem:$0x560];
	v48 =	vmul.f32 v62, v26;
	v47 =	vadd.f32 v42, v28;
	[tilespmem:$0x1150] =	vst v41  }
0xdc: {  	v51 =	vmul.f32 v37, v26;
	v52 =	vld [tilespmem:$0x570];
	v50 =	vadd.f32 v45, v28;
	[tilespmem:$0x1160] =	vst v44  }
0xdd: {  	v54 =	vmul.f32 v40, v26;
	v53 =	vadd.f32 v48, v28;
	[tilespmem:$0x1170] =	vst v47  }
0xde: {  	v56 =	vmul.f32 v43, v26;
	v55 =	vadd.f32 v51, v28;
	[tilespmem:$0x1180] =	vst v50  }
0xdf: {  	v58 =	vmul.f32 v46, v26;
	v57 =	vadd.f32 v54, v28;
	[tilespmem:$0x1190] =	vst v53  }
0xe0: {  	v59 =	vadd.f32 v56, v28;
	[tilespmem:$0x11A0] =	vst v55;
	v60 =	vmul.f32 v49, v26  }
0xe1: {  	v61 =	vadd.f32 v58, v28;
	[tilespmem:$0x11B0] =	vst v57;
	v26 =	vmul.f32 v52, v26  }
0xe2: {  	[tilespmem:$0x11C0] =	vst v59;
	v62 =	vadd.f32 v60, v28  }
0xe3: {  	[tilespmem:$0x11D0] =	vst v61;
	v63 =	vadd.f32 v26, v28  }
0xe4: {  	p0 =	sne.s32 s10, $0x1;
	[tilespmem:$0x11E0] =	vst v62  }
.Ltmp0:
0xe5: {  	[tilespmem:$0x11F0] =	vst v63;
	(pc) =	sbr.rel @p0 .LBB2_1-.Ltmp0, $4  }
0xe6: {  	[hbm4b:s9+s11] =	stream.strided.scatter [tilespmem:s18], [sflag:$0x2], $0x100, s12, s11, $0x38;
	[tilespmem:$0x1300] =	vst v63  }
0xe7: {  	_ =	swait.ge [sflag:s13], $0x100  }
0xe8: {  	[sflag:s13] =	ssyncset.done $0x0  }
0xe9: {  	s10 =	sadd.s32 $0xFFFFFFFF, s10;
	[sflag:s13] =	ssyncadd.s32 $0xFFFFFF00  }
0xea: {  	_ =	sfence.sel $0x180000  }
0xeb: {  	[bflag:$0x0] =	sbarrier.arrive $0xFFFF  }
0xec: {  	p0 =	sne.s32 s2, $0x0;
	_ =	strace $0x90000047  }
0xed: {  	s0 =	sadd.s32 @!p0 $0x100000, s0;
	[bflag:$0x2] =	sbarrier.arrive $0xFFFF  }
0xee: {  	[sflag:s0] =	ssyncadd.tile.s32 @!p0 $0x1;
	_ =	shalt  }
.Lfunc_end2:
_tile_overlayer_lowered:
.L_overlay_start_2:
0xef: {  	(tag) =	ssettag $0x2  }
0xf0: {  	s0 =	rddreg [dreg:$0x0];
	s2 =	stileid.u32  }
0xf1: {  	s1 =	rddreg [dreg:$0x1];
	p0 =	sne.s32 s2, $0x0  }
0xf2: {  	s3 =	rddreg [dreg:$0x2];
	[bflag:$0x3] =	sbarrier.arrive $0xFFFF;
	s2 =	simm.s32 @!p0 $0x1C02  }
0xf3: {  	[timem:s3], [sflag:s2] =	dma.local @!p0 [hbm:s0], s1  }
0xf4: {  	s0 =	simm.s32 @!p0 $0x2  }
0xf5: {  	_ =	swait.ge @!p0 [sflag:s0], s1  }
0xf6: {  	s1 =	ssub.s32 @!p0 $0x0, s1;
	[sflag:s0] =	ssyncset.done @!p0 $0x0  }
0xf7: {  	[sflag:s0] =	ssyncadd.s32 @!p0 s1  }
0xf8: {  	[bflag:$0x3] =	sbarrier.arrive $0xFFFF  }
0xf9: {  	_ =	shalt  }

</sc_bundles>
